<compile_context>
chip_gen: v7x
topology: tpu7x:2x2x1
jax: 0.10.2.dev20260603
libtpu: 0.0.44.dev20260713+nightly
codegen_flags: <defaults>
</compile_context>

<pallas_src>
import functools

import jax
import jax.numpy as jnp
from jax import lax
from jax.experimental import pallas as pl
from jax.experimental.pallas import tpu as pltpu
from jax.experimental.pallas import tpu_sc as plsc

_IPG = 128
_K = 8
_CHUNK = _K * _IPG
_PD = 128


@functools.lru_cache(maxsize=None)
def _make_gather(total: int, dim: int):
    info = plsc.get_sparse_core_info()
    nc, ns = info.num_cores, info.num_subcores
    nw = nc * ns
    assert total % (nw * _CHUNK) == 0
    nb = total // (nw * _CHUNK)
    assert nb % 2 == 1 and nb >= 3
    mesh = plsc.VectorSubcoreMesh(core_axis_name="c", subcore_axis_name="s")

    @functools.partial(
        pl.kernel,
        mesh=mesh,
        out_type=jax.ShapeDtypeStruct((nw, nb, _CHUNK, _PD), jnp.float32),
        scratch_types=[
            pltpu.VMEM((nb * _K, _IPG), jnp.int32),
            pltpu.VMEM((_CHUNK, dim), jnp.float32),
            pltpu.VMEM((_CHUNK, dim), jnp.float32),
            pltpu.SemaphoreType.DMA,
            pltpu.SemaphoreType.DMA,
            pltpu.SemaphoreType.DMA,
            pltpu.SemaphoreType.DMA,
        ],
        compiler_params=pltpu.CompilerParams(use_tc_tiling_on_sc=False),
    )
    def gather(idx_hbm, t4_hbm, out_hbm, idx_v, rows0, rows1, g0, g1,
               w0, w1):
        wid = lax.axis_index("s") * nc + lax.axis_index("c")
        rows = (rows0, rows1)
        g_sem = (g0, g1)
        w_sem = (w0, w1)

        def fire(cur, buf, sem):
            for j in range(_K):
                pltpu.async_copy(
                    t4_hbm.at[idx_v.at[cur * _K + j]],
                    buf.at[pl.ds(j * _IPG, _IPG)],
                    sem,
                )

        def out_slab(b):
            return out_hbm.at[wid, b].at[:, pl.ds(0, dim)]

        def drain_gather(p):
            pltpu.make_async_copy(out_slab(0), rows[p], g_sem[p]).wait()

        def drain_wb(p):
            pltpu.make_async_copy(rows[p], out_slab(0), w_sem[p]).wait()

        pltpu.sync_copy(idx_hbm.at[wid], idx_v)

        fire(0, rows[0], g_sem[0])

        def body(g, carry):
            for b in (0, 1):
                cur = 1 + 2 * g + b
                cb = 1 - b
                pb = b

                @pl.when(cur >= 2)
                def _():
                    drain_wb(cb)
                fire(cur, rows[cb], g_sem[cb])
                drain_gather(pb)
                pltpu.async_copy(rows[pb], out_slab(cur - 1), w_sem[pb])
            return carry

        lax.fori_loop(0, (nb - 1) // 2, body, 0)

        drain_gather(0)
        pltpu.async_copy(rows[0], out_slab(nb - 1), w_sem[0])
        drain_wb(1)
        drain_wb(0)

    return gather


def kernel(x, table):
    b, h = x.shape
    n, d = table.shape
    total = b * h
    gather = _make_gather(total, d)
    info = plsc.get_sparse_core_info()
    nw = info.num_cores * info.num_subcores
    ratio = _PD // d
    idx = (x.astype(jnp.int32) * ratio).reshape(nw, total // (nw * _IPG),
                                                _IPG)
    t4 = jnp.pad(table, ((0, 0), (0, _PD - d))).reshape(n * ratio, d)
    out = gather(idx, t4)
    return out.reshape(b, h, _PD)[:, :, :d]

# --- scband reference (transcript-rebuilt; emitter-appended) ---
"""Pipeline reference for scband-net-71494025609523 (READ-ONLY COPY).

The authoritative reference and input builder live on the scoring server;
editing this copy changes nothing except your own understanding.
"""

import jax, jax.numpy as jnp
import numpy as np

NUM_EMBEDDINGS = 1000000
EMBEDDING_DIM = 32
BATCH = 4096
HIST_LEN = 200

def setup_inputs(seed: int = 0) -> dict:
    key = jax.random.key(seed)
    k_idx, k_tab = jax.random.split(key)
    x = jax.random.randint(k_idx, (BATCH, HIST_LEN), 0, NUM_EMBEDDINGS, dtype=jnp.int64 if jax.config.jax_enable_x64 else jnp.int32)
    # nn.Embedding default init: N(0, 1)
    table = jax.random.normal(k_tab, (NUM_EMBEDDINGS, EMBEDDING_DIM), dtype=jnp.float32)
    return {"x": x, "table": table}

def reference(x, table):
    # forward: embedded = self.embedding(x)
    embedded = jnp.take(table, x, axis=0)
    return embedded

if __name__ == "__main__":
    import jax
    _d = setup_inputs()
    print(jax.jit(kernel)(*tuple(_d.values())))

</pallas_src>

<mosaic_0001>
#map = affine_map<(d0, d1) -> (0, 0, 0)>
#map1 = affine_map<(d0, d1) -> (0, 0)>
#map2 = affine_map<(d0, d1) -> (0, 0, 0, 0)>
module attributes {stable_mosaic.version = 14 : i64} {
  func.func @gather(%arg0: i32, %arg1: i32, %arg2: memref<32x200x128xi32, #tpu.memory_space<hbm>>, %arg3: memref<4000000x32xf32, #tpu.memory_space<hbm>>, %arg4: memref<32x25x1024x128xf32, #tpu.memory_space<hbm>>, %arg5: memref<200x128xi32, #tpu.memory_space<vmem>>, %arg6: memref<1024x32xf32, #tpu.memory_space<vmem>>, %arg7: memref<1024x32xf32, #tpu.memory_space<vmem>>, %arg8: memref<!tpu.dma_semaphore, #tpu.memory_space<semaphore_mem>>, %arg9: memref<!tpu.dma_semaphore, #tpu.memory_space<semaphore_mem>>, %arg10: memref<!tpu.dma_semaphore, #tpu.memory_space<semaphore_mem>>, %arg11: memref<!tpu.dma_semaphore, #tpu.memory_space<semaphore_mem>>) attributes {dimension_semantics = [#tpu.dimension_semantics<core_parallel>, #tpu.dimension_semantics<subcore_parallel>], iteration_bounds = array<i64: 2, 16>, scalar_prefetch = 0 : i64, scratch_operands = 7 : i64, tpu.core_type = #tpu.core_type<sc_vector_subcore>, window_params = [{transform_indices = #map}, {transform_indices = #map1}, {transform_indices = #map2}]} {
    %mul3A = arith.constant 2 : i32
    %mul3A_0 = arith.muli %arg1, %mul3A : i32
    %add3A = arith.addi %mul3A_0, %arg0 : i32
    "tpu.region"() ({
      %run_scoped3A = tpu.sem_alloc : memref<!tpu.dma_semaphore, #tpu.memory_space<semaphore_mem>>
      %dma_start3A_144 = arith.constant 0 : i32
      %dma_start3A_145 = arith.constant 0 : i32
      %dma_start3A_146 = tpu.memref_slice %arg2[%add3A, %dma_start3A_144, %dma_start3A_145] : memref<32x200x128xi32, #tpu.memory_space<hbm>> -> memref<1x200x128xi32, #tpu.memory_space<hbm>>
      %dma_start3A_147 = tpu.memref_squeeze %dma_start3A_146 : memref<1x200x128xi32, #tpu.memory_space<hbm>> -> memref<200x128xi32, #tpu.memory_space<hbm>>
      %dma_start3A_148 = arith.constant 0 : i32
      %dma_start3A_149 = arith.constant 0 : i32
      %dma_start3A_150 = tpu.memref_slice %arg2[%add3A, %dma_start3A_148, %dma_start3A_149] : memref<32x200x128xi32, #tpu.memory_space<hbm>> -> memref<1x200x128xi32, #tpu.memory_space<hbm>>
      %dma_start3A_151 = tpu.memref_squeeze %dma_start3A_150 : memref<1x200x128xi32, #tpu.memory_space<hbm>> -> memref<200x128xi32, #tpu.memory_space<hbm>>
      tpu.enqueue_dma source(%dma_start3A_151 : memref<200x128xi32, #tpu.memory_space<hbm>>) target(%arg5 : memref<200x128xi32, #tpu.memory_space<vmem>>) target_semaphore(%run_scoped3A : memref<!tpu.dma_semaphore, #tpu.memory_space<semaphore_mem>>)
      %dma_wait3A_152 = arith.constant 0 : i32
      %dma_wait3A_153 = arith.constant 0 : i32
      %dma_wait3A_154 = tpu.memref_slice %arg2[%add3A, %dma_wait3A_152, %dma_wait3A_153] : memref<32x200x128xi32, #tpu.memory_space<hbm>> -> memref<1x200x128xi32, #tpu.memory_space<hbm>>
      %dma_wait3A_155 = tpu.memref_squeeze %dma_wait3A_154 : memref<1x200x128xi32, #tpu.memory_space<hbm>> -> memref<200x128xi32, #tpu.memory_space<hbm>>
      %dma_wait3A_156 = arith.constant 0 : i32
      %dma_wait3A_157 = arith.constant 0 : i32
      %dma_wait3A_158 = tpu.memref_slice %arg2[%add3A, %dma_wait3A_156, %dma_wait3A_157] : memref<32x200x128xi32, #tpu.memory_space<hbm>> -> memref<1x200x128xi32, #tpu.memory_space<hbm>>
      %dma_wait3A_159 = tpu.memref_squeeze %dma_wait3A_158 : memref<1x200x128xi32, #tpu.memory_space<hbm>> -> memref<200x128xi32, #tpu.memory_space<hbm>>
      tpu.wait_dma2 semaphore(%run_scoped3A : memref<!tpu.dma_semaphore, #tpu.memory_space<semaphore_mem>>) src(%dma_wait3A_159 : memref<200x128xi32, #tpu.memory_space<hbm>>) dst(%arg5 : memref<200x128xi32, #tpu.memory_space<vmem>>)
      tpu.yield
    }) : () -> ()
    %dma_start3A = arith.constant 0 : i32
    %dma_start3A_1 = arith.constant 0 : i32
    %dma_start3A_2 = arith.constant 0 : i32
    %dma_start3A_3 = tpu.memref_slice %arg6[%dma_start3A_1, %dma_start3A_2] : memref<1024x32xf32, #tpu.memory_space<vmem>> -> memref<128x32xf32, #tpu.memory_space<vmem>>
    %dma_start3A_4 = arith.constant 0 : i32
    %dma_start3A_5 = tpu.memref_slice %arg5[%dma_start3A, %dma_start3A_4] : memref<200x128xi32, #tpu.memory_space<vmem>> -> memref<1x128xi32, #tpu.memory_space<vmem>>
    %dma_start3A_6 = tpu.memref_squeeze %dma_start3A_5 : memref<1x128xi32, #tpu.memory_space<vmem>> -> memref<128xi32, #tpu.memory_space<vmem>>
    %dma_start3A_7 = arith.constant 0 : i32
    %dma_start3A_8 = arith.constant 0 : i32
    %dma_start3A_9 = tpu.memref_slice %arg3[%dma_start3A_7, %dma_start3A_8] : memref<4000000x32xf32, #tpu.memory_space<hbm>> -> memref<4000000x32xf32, #tpu.memory_space<hbm>>
    tpu.enqueue_indirect_dma source(%dma_start3A_9 : memref<4000000x32xf32, #tpu.memory_space<hbm>>) target(%dma_start3A_3 : memref<128x32xf32, #tpu.memory_space<vmem>>) offsets(%dma_start3A_6 : memref<128xi32, #tpu.memory_space<vmem>>) semaphore(%arg8 : memref<!tpu.dma_semaphore, #tpu.memory_space<semaphore_mem>>)
    %dma_start3A_10 = arith.constant 1 : i32
    %dma_start3A_11 = arith.constant 128 : i32
    %dma_start3A_12 = arith.constant 0 : i32
    %dma_start3A_13 = tpu.memref_slice %arg6[%dma_start3A_11, %dma_start3A_12] : memref<1024x32xf32, #tpu.memory_space<vmem>> -> memref<128x32xf32, #tpu.memory_space<vmem>>
    %dma_start3A_14 = arith.constant 0 : i32
    %dma_start3A_15 = tpu.memref_slice %arg5[%dma_start3A_10, %dma_start3A_14] : memref<200x128xi32, #tpu.memory_space<vmem>> -> memref<1x128xi32, #tpu.memory_space<vmem>>
    %dma_start3A_16 = tpu.memref_squeeze %dma_start3A_15 : memref<1x128xi32, #tpu.memory_space<vmem>> -> memref<128xi32, #tpu.memory_space<vmem>>
    %dma_start3A_17 = arith.constant 0 : i32
    %dma_start3A_18 = arith.constant 0 : i32
    %dma_start3A_19 = tpu.memref_slice %arg3[%dma_start3A_17, %dma_start3A_18] : memref<4000000x32xf32, #tpu.memory_space<hbm>> -> memref<4000000x32xf32, #tpu.memory_space<hbm>>
    tpu.enqueue_indirect_dma source(%dma_start3A_19 : memref<4000000x32xf32, #tpu.memory_space<hbm>>) target(%dma_start3A_13 : memref<128x32xf32, #tpu.memory_space<vmem>>) offsets(%dma_start3A_16 : memref<128xi32, #tpu.memory_space<vmem>>) semaphore(%arg8 : memref<!tpu.dma_semaphore, #tpu.memory_space<semaphore_mem>>)
    %dma_start3A_20 = arith.constant 2 : i32
    %dma_start3A_21 = arith.constant 256 : i32
    %dma_start3A_22 = arith.constant 0 : i32
    %dma_start3A_23 = tpu.memref_slice %arg6[%dma_start3A_21, %dma_start3A_22] : memref<1024x32xf32, #tpu.memory_space<vmem>> -> memref<128x32xf32, #tpu.memory_space<vmem>>
    %dma_start3A_24 = arith.constant 0 : i32
    %dma_start3A_25 = tpu.memref_slice %arg5[%dma_start3A_20, %dma_start3A_24] : memref<200x128xi32, #tpu.memory_space<vmem>> -> memref<1x128xi32, #tpu.memory_space<vmem>>
    %dma_start3A_26 = tpu.memref_squeeze %dma_start3A_25 : memref<1x128xi32, #tpu.memory_space<vmem>> -> memref<128xi32, #tpu.memory_space<vmem>>
    %dma_start3A_27 = arith.constant 0 : i32
    %dma_start3A_28 = arith.constant 0 : i32
    %dma_start3A_29 = tpu.memref_slice %arg3[%dma_start3A_27, %dma_start3A_28] : memref<4000000x32xf32, #tpu.memory_space<hbm>> -> memref<4000000x32xf32, #tpu.memory_space<hbm>>
    tpu.enqueue_indirect_dma source(%dma_start3A_29 : memref<4000000x32xf32, #tpu.memory_space<hbm>>) target(%dma_start3A_23 : memref<128x32xf32, #tpu.memory_space<vmem>>) offsets(%dma_start3A_26 : memref<128xi32, #tpu.memory_space<vmem>>) semaphore(%arg8 : memref<!tpu.dma_semaphore, #tpu.memory_space<semaphore_mem>>)
    %dma_start3A_30 = arith.constant 3 : i32
    %dma_start3A_31 = arith.constant 384 : i32
    %dma_start3A_32 = arith.constant 0 : i32
    %dma_start3A_33 = tpu.memref_slice %arg6[%dma_start3A_31, %dma_start3A_32] : memref<1024x32xf32, #tpu.memory_space<vmem>> -> memref<128x32xf32, #tpu.memory_space<vmem>>
    %dma_start3A_34 = arith.constant 0 : i32
    %dma_start3A_35 = tpu.memref_slice %arg5[%dma_start3A_30, %dma_start3A_34] : memref<200x128xi32, #tpu.memory_space<vmem>> -> memref<1x128xi32, #tpu.memory_space<vmem>>
    %dma_start3A_36 = tpu.memref_squeeze %dma_start3A_35 : memref<1x128xi32, #tpu.memory_space<vmem>> -> memref<128xi32, #tpu.memory_space<vmem>>
    %dma_start3A_37 = arith.constant 0 : i32
    %dma_start3A_38 = arith.constant 0 : i32
    %dma_start3A_39 = tpu.memref_slice %arg3[%dma_start3A_37, %dma_start3A_38] : memref<4000000x32xf32, #tpu.memory_space<hbm>> -> memref<4000000x32xf32, #tpu.memory_space<hbm>>
    tpu.enqueue_indirect_dma source(%dma_start3A_39 : memref<4000000x32xf32, #tpu.memory_space<hbm>>) target(%dma_start3A_33 : memref<128x32xf32, #tpu.memory_space<vmem>>) offsets(%dma_start3A_36 : memref<128xi32, #tpu.memory_space<vmem>>) semaphore(%arg8 : memref<!tpu.dma_semaphore, #tpu.memory_space<semaphore_mem>>)
    %dma_start3A_40 = arith.constant 4 : i32
    %dma_start3A_41 = arith.constant 512 : i32
    %dma_start3A_42 = arith.constant 0 : i32
    %dma_start3A_43 = tpu.memref_slice %arg6[%dma_start3A_41, %dma_start3A_42] : memref<1024x32xf32, #tpu.memory_space<vmem>> -> memref<128x32xf32, #tpu.memory_space<vmem>>
    %dma_start3A_44 = arith.constant 0 : i32
    %dma_start3A_45 = tpu.memref_slice %arg5[%dma_start3A_40, %dma_start3A_44] : memref<200x128xi32, #tpu.memory_space<vmem>> -> memref<1x128xi32, #tpu.memory_space<vmem>>
    %dma_start3A_46 = tpu.memref_squeeze %dma_start3A_45 : memref<1x128xi32, #tpu.memory_space<vmem>> -> memref<128xi32, #tpu.memory_space<vmem>>
    %dma_start3A_47 = arith.constant 0 : i32
    %dma_start3A_48 = arith.constant 0 : i32
    %dma_start3A_49 = tpu.memref_slice %arg3[%dma_start3A_47, %dma_start3A_48] : memref<4000000x32xf32, #tpu.memory_space<hbm>> -> memref<4000000x32xf32, #tpu.memory_space<hbm>>
    tpu.enqueue_indirect_dma source(%dma_start3A_49 : memref<4000000x32xf32, #tpu.memory_space<hbm>>) target(%dma_start3A_43 : memref<128x32xf32, #tpu.memory_space<vmem>>) offsets(%dma_start3A_46 : memref<128xi32, #tpu.memory_space<vmem>>) semaphore(%arg8 : memref<!tpu.dma_semaphore, #tpu.memory_space<semaphore_mem>>)
    %dma_start3A_50 = arith.constant 5 : i32
    %dma_start3A_51 = arith.constant 640 : i32
    %dma_start3A_52 = arith.constant 0 : i32
    %dma_start3A_53 = tpu.memref_slice %arg6[%dma_start3A_51, %dma_start3A_52] : memref<1024x32xf32, #tpu.memory_space<vmem>> -> memref<128x32xf32, #tpu.memory_space<vmem>>
    %dma_start3A_54 = arith.constant 0 : i32
    %dma_start3A_55 = tpu.memref_slice %arg5[%dma_start3A_50, %dma_start3A_54] : memref<200x128xi32, #tpu.memory_space<vmem>> -> memref<1x128xi32, #tpu.memory_space<vmem>>
    %dma_start3A_56 = tpu.memref_squeeze %dma_start3A_55 : memref<1x128xi32, #tpu.memory_space<vmem>> -> memref<128xi32, #tpu.memory_space<vmem>>
    %dma_start3A_57 = arith.constant 0 : i32
    %dma_start3A_58 = arith.constant 0 : i32
    %dma_start3A_59 = tpu.memref_slice %arg3[%dma_start3A_57, %dma_start3A_58] : memref<4000000x32xf32, #tpu.memory_space<hbm>> -> memref<4000000x32xf32, #tpu.memory_space<hbm>>
    tpu.enqueue_indirect_dma source(%dma_start3A_59 : memref<4000000x32xf32, #tpu.memory_space<hbm>>) target(%dma_start3A_53 : memref<128x32xf32, #tpu.memory_space<vmem>>) offsets(%dma_start3A_56 : memref<128xi32, #tpu.memory_space<vmem>>) semaphore(%arg8 : memref<!tpu.dma_semaphore, #tpu.memory_space<semaphore_mem>>)
    %dma_start3A_60 = arith.constant 6 : i32
    %dma_start3A_61 = arith.constant 768 : i32
    %dma_start3A_62 = arith.constant 0 : i32
    %dma_start3A_63 = tpu.memref_slice %arg6[%dma_start3A_61, %dma_start3A_62] : memref<1024x32xf32, #tpu.memory_space<vmem>> -> memref<128x32xf32, #tpu.memory_space<vmem>>
    %dma_start3A_64 = arith.constant 0 : i32
    %dma_start3A_65 = tpu.memref_slice %arg5[%dma_start3A_60, %dma_start3A_64] : memref<200x128xi32, #tpu.memory_space<vmem>> -> memref<1x128xi32, #tpu.memory_space<vmem>>
    %dma_start3A_66 = tpu.memref_squeeze %dma_start3A_65 : memref<1x128xi32, #tpu.memory_space<vmem>> -> memref<128xi32, #tpu.memory_space<vmem>>
    %dma_start3A_67 = arith.constant 0 : i32
    %dma_start3A_68 = arith.constant 0 : i32
    %dma_start3A_69 = tpu.memref_slice %arg3[%dma_start3A_67, %dma_start3A_68] : memref<4000000x32xf32, #tpu.memory_space<hbm>> -> memref<4000000x32xf32, #tpu.memory_space<hbm>>
    tpu.enqueue_indirect_dma source(%dma_start3A_69 : memref<4000000x32xf32, #tpu.memory_space<hbm>>) target(%dma_start3A_63 : memref<128x32xf32, #tpu.memory_space<vmem>>) offsets(%dma_start3A_66 : memref<128xi32, #tpu.memory_space<vmem>>) semaphore(%arg8 : memref<!tpu.dma_semaphore, #tpu.memory_space<semaphore_mem>>)
    %dma_start3A_70 = arith.constant 7 : i32
    %dma_start3A_71 = arith.constant 896 : i32
    %dma_start3A_72 = arith.constant 0 : i32
    %dma_start3A_73 = tpu.memref_slice %arg6[%dma_start3A_71, %dma_start3A_72] : memref<1024x32xf32, #tpu.memory_space<vmem>> -> memref<128x32xf32, #tpu.memory_space<vmem>>
    %dma_start3A_74 = arith.constant 0 : i32
    %dma_start3A_75 = tpu.memref_slice %arg5[%dma_start3A_70, %dma_start3A_74] : memref<200x128xi32, #tpu.memory_space<vmem>> -> memref<1x128xi32, #tpu.memory_space<vmem>>
    %dma_start3A_76 = tpu.memref_squeeze %dma_start3A_75 : memref<1x128xi32, #tpu.memory_space<vmem>> -> memref<128xi32, #tpu.memory_space<vmem>>
    %dma_start3A_77 = arith.constant 0 : i32
    %dma_start3A_78 = arith.constant 0 : i32
    %dma_start3A_79 = tpu.memref_slice %arg3[%dma_start3A_77, %dma_start3A_78] : memref<4000000x32xf32, #tpu.memory_space<hbm>> -> memref<4000000x32xf32, #tpu.memory_space<hbm>>
    tpu.enqueue_indirect_dma source(%dma_start3A_79 : memref<4000000x32xf32, #tpu.memory_space<hbm>>) target(%dma_start3A_73 : memref<128x32xf32, #tpu.memory_space<vmem>>) offsets(%dma_start3A_76 : memref<128xi32, #tpu.memory_space<vmem>>) semaphore(%arg8 : memref<!tpu.dma_semaphore, #tpu.memory_space<semaphore_mem>>)
    %scan3A = arith.constant 0 : i32
    %scan3A_80 = arith.constant 0 : i32
    %scan3A_81 = arith.constant 12 : i32
    %scan3A_82 = arith.addi %scan3A_80, %scan3A_81 : i32
    %scan3A_83 = arith.constant 1 : i32
    scf.for %scan3A_144 = %scan3A_80 to %scan3A_82 step %scan3A_83  : i32 {
      %mul3A_145 = arith.constant 2 : i32
      %mul3A_146 = arith.muli %mul3A_145, %scan3A_144 : i32
      %add3A_147 = arith.constant 1 : i32
      %add3A_148 = arith.addi %add3A_147, %mul3A_146 : i32
      %add3A_149 = arith.constant 0 : i32
      %add3A_150 = arith.addi %add3A_148, %add3A_149 : i32
      %ge3A = arith.constant 2 : i32
      %ge3A_151 = arith.cmpi sge, %add3A_150, %ge3A : i32
      %convert_element_type3A = arith.extui %ge3A_151 : i1 to i32
      %cond3A = arith.constant 0 : i32
      %cond3A_152 = arith.cmpi ne, %convert_element_type3A, %cond3A : i32
      scf.if %cond3A_152 {
        %dma_wait3A_433 = arith.constant 0 : i32
        %dma_wait3A_434 = arith.constant 0 : i32
        %dma_wait3A_435 = arith.constant 0 : i32
        %dma_wait3A_436 = tpu.memref_slice %arg4[%add3A, %dma_wait3A_433, %dma_wait3A_434, %dma_wait3A_435] : memref<32x25x1024x128xf32, #tpu.memory_space<hbm>> -> memref<1x1x1024x128xf32, #tpu.memory_space<hbm>>
        %dma_wait3A_437 = tpu.memref_squeeze %dma_wait3A_436 : memref<1x1x1024x128xf32, #tpu.memory_space<hbm>> -> memref<1024x128xf32, #tpu.memory_space<hbm>>
        %dma_wait3A_438 = arith.constant 0 : i32
        %dma_wait3A_439 = arith.constant 0 : i32
        %dma_wait3A_440 = tpu.memref_slice %dma_wait3A_437[%dma_wait3A_438, %dma_wait3A_439] : memref<1024x128xf32, #tpu.memory_space<hbm>> -> memref<1024x32xf32, #tpu.memory_space<hbm>>
        %dma_wait3A_441 = arith.constant 0 : i32
        %dma_wait3A_442 = arith.constant 0 : i32
        %dma_wait3A_443 = tpu.memref_slice %arg4[%add3A, %dma_wait3A_433, %dma_wait3A_441, %dma_wait3A_442] : memref<32x25x1024x128xf32, #tpu.memory_space<hbm>> -> memref<1x1x1024x128xf32, #tpu.memory_space<hbm>>
        %dma_wait3A_444 = tpu.memref_squeeze %dma_wait3A_443 : memref<1x1x1024x128xf32, #tpu.memory_space<hbm>> -> memref<1024x128xf32, #tpu.memory_space<hbm>>
        %dma_wait3A_445 = arith.constant 0 : i32
        %dma_wait3A_446 = arith.constant 0 : i32
        %dma_wait3A_447 = tpu.memref_slice %dma_wait3A_444[%dma_wait3A_445, %dma_wait3A_446] : memref<1024x128xf32, #tpu.memory_space<hbm>> -> memref<1024x32xf32, #tpu.memory_space<hbm>>
        tpu.wait_dma2 semaphore(%arg11 : memref<!tpu.dma_semaphore, #tpu.memory_space<semaphore_mem>>) src(%arg7 : memref<1024x32xf32, #tpu.memory_space<vmem>>) dst(%dma_wait3A_447 : memref<1024x32xf32, #tpu.memory_space<hbm>>)
      } else {
      }
      %mul3A_153 = arith.constant 8 : i32
      %mul3A_154 = arith.muli %add3A_150, %mul3A_153 : i32
      %add3A_155 = arith.constant 0 : i32
      %add3A_156 = arith.addi %mul3A_154, %add3A_155 : i32
      %dma_start3A_157 = arith.constant 0 : i32
      %dma_start3A_158 = arith.constant 0 : i32
      %dma_start3A_159 = tpu.memref_slice %arg7[%dma_start3A_157, %dma_start3A_158] : memref<1024x32xf32, #tpu.memory_space<vmem>> -> memref<128x32xf32, #tpu.memory_space<vmem>>
      %dma_start3A_160 = arith.constant 0 : i32
      %dma_start3A_161 = tpu.memref_slice %arg5[%add3A_156, %dma_start3A_160] : memref<200x128xi32, #tpu.memory_space<vmem>> -> memref<1x128xi32, #tpu.memory_space<vmem>>
      %dma_start3A_162 = tpu.memref_squeeze %dma_start3A_161 : memref<1x128xi32, #tpu.memory_space<vmem>> -> memref<128xi32, #tpu.memory_space<vmem>>
      %dma_start3A_163 = arith.constant 0 : i32
      %dma_start3A_164 = arith.constant 0 : i32
      %dma_start3A_165 = tpu.memref_slice %arg3[%dma_start3A_163, %dma_start3A_164] : memref<4000000x32xf32, #tpu.memory_space<hbm>> -> memref<4000000x32xf32, #tpu.memory_space<hbm>>
      tpu.enqueue_indirect_dma source(%dma_start3A_165 : memref<4000000x32xf32, #tpu.memory_space<hbm>>) target(%dma_start3A_159 : memref<128x32xf32, #tpu.memory_space<vmem>>) offsets(%dma_start3A_162 : memref<128xi32, #tpu.memory_space<vmem>>) semaphore(%arg9 : memref<!tpu.dma_semaphore, #tpu.memory_space<semaphore_mem>>)
      %mul3A_166 = arith.constant 8 : i32
      %mul3A_167 = arith.muli %add3A_150, %mul3A_166 : i32
      %add3A_168 = arith.constant 1 : i32
      %add3A_169 = arith.addi %mul3A_167, %add3A_168 : i32
      %dma_start3A_170 = arith.constant 128 : i32
      %dma_start3A_171 = arith.constant 0 : i32
      %dma_start3A_172 = tpu.memref_slice %arg7[%dma_start3A_170, %dma_start3A_171] : memref<1024x32xf32, #tpu.memory_space<vmem>> -> memref<128x32xf32, #tpu.memory_space<vmem>>
      %dma_start3A_173 = arith.constant 0 : i32
      %dma_start3A_174 = tpu.memref_slice %arg5[%add3A_169, %dma_start3A_173] : memref<200x128xi32, #tpu.memory_space<vmem>> -> memref<1x128xi32, #tpu.memory_space<vmem>>
      %dma_start3A_175 = tpu.memref_squeeze %dma_start3A_174 : memref<1x128xi32, #tpu.memory_space<vmem>> -> memref<128xi32, #tpu.memory_space<vmem>>
      %dma_start3A_176 = arith.constant 0 : i32
      %dma_start3A_177 = arith.constant 0 : i32
      %dma_start3A_178 = tpu.memref_slice %arg3[%dma_start3A_176, %dma_start3A_177] : memref<4000000x32xf32, #tpu.memory_space<hbm>> -> memref<4000000x32xf32, #tpu.memory_space<hbm>>
      tpu.enqueue_indirect_dma source(%dma_start3A_178 : memref<4000000x32xf32, #tpu.memory_space<hbm>>) target(%dma_start3A_172 : memref<128x32xf32, #tpu.memory_space<vmem>>) offsets(%dma_start3A_175 : memref<128xi32, #tpu.memory_space<vmem>>) semaphore(%arg9 : memref<!tpu.dma_semaphore, #tpu.memory_space<semaphore_mem>>)
      %mul3A_179 = arith.constant 8 : i32
      %mul3A_180 = arith.muli %add3A_150, %mul3A_179 : i32
      %add3A_181 = arith.constant 2 : i32
      %add3A_182 = arith.addi %mul3A_180, %add3A_181 : i32
      %dma_start3A_183 = arith.constant 256 : i32
      %dma_start3A_184 = arith.constant 0 : i32
      %dma_start3A_185 = tpu.memref_slice %arg7[%dma_start3A_183, %dma_start3A_184] : memref<1024x32xf32, #tpu.memory_space<vmem>> -> memref<128x32xf32, #tpu.memory_space<vmem>>
      %dma_start3A_186 = arith.constant 0 : i32
      %dma_start3A_187 = tpu.memref_slice %arg5[%add3A_182, %dma_start3A_186] : memref<200x128xi32, #tpu.memory_space<vmem>> -> memref<1x128xi32, #tpu.memory_space<vmem>>
      %dma_start3A_188 = tpu.memref_squeeze %dma_start3A_187 : memref<1x128xi32, #tpu.memory_space<vmem>> -> memref<128xi32, #tpu.memory_space<vmem>>
      %dma_start3A_189 = arith.constant 0 : i32
      %dma_start3A_190 = arith.constant 0 : i32
      %dma_start3A_191 = tpu.memref_slice %arg3[%dma_start3A_189, %dma_start3A_190] : memref<4000000x32xf32, #tpu.memory_space<hbm>> -> memref<4000000x32xf32, #tpu.memory_space<hbm>>
      tpu.enqueue_indirect_dma source(%dma_start3A_191 : memref<4000000x32xf32, #tpu.memory_space<hbm>>) target(%dma_start3A_185 : memref<128x32xf32, #tpu.memory_space<vmem>>) offsets(%dma_start3A_188 : memref<128xi32, #tpu.memory_space<vmem>>) semaphore(%arg9 : memref<!tpu.dma_semaphore, #tpu.memory_space<semaphore_mem>>)
      %mul3A_192 = arith.constant 8 : i32
      %mul3A_193 = arith.muli %add3A_150, %mul3A_192 : i32
      %add3A_194 = arith.constant 3 : i32
      %add3A_195 = arith.addi %mul3A_193, %add3A_194 : i32
      %dma_start3A_196 = arith.constant 384 : i32
      %dma_start3A_197 = arith.constant 0 : i32
      %dma_start3A_198 = tpu.memref_slice %arg7[%dma_start3A_196, %dma_start3A_197] : memref<1024x32xf32, #tpu.memory_space<vmem>> -> memref<128x32xf32, #tpu.memory_space<vmem>>
      %dma_start3A_199 = arith.constant 0 : i32
      %dma_start3A_200 = tpu.memref_slice %arg5[%add3A_195, %dma_start3A_199] : memref<200x128xi32, #tpu.memory_space<vmem>> -> memref<1x128xi32, #tpu.memory_space<vmem>>
      %dma_start3A_201 = tpu.memref_squeeze %dma_start3A_200 : memref<1x128xi32, #tpu.memory_space<vmem>> -> memref<128xi32, #tpu.memory_space<vmem>>
      %dma_start3A_202 = arith.constant 0 : i32
      %dma_start3A_203 = arith.constant 0 : i32
      %dma_start3A_204 = tpu.memref_slice %arg3[%dma_start3A_202, %dma_start3A_203] : memref<4000000x32xf32, #tpu.memory_space<hbm>> -> memref<4000000x32xf32, #tpu.memory_space<hbm>>
      tpu.enqueue_indirect_dma source(%dma_start3A_204 : memref<4000000x32xf32, #tpu.memory_space<hbm>>) target(%dma_start3A_198 : memref<128x32xf32, #tpu.memory_space<vmem>>) offsets(%dma_start3A_201 : memref<128xi32, #tpu.memory_space<vmem>>) semaphore(%arg9 : memref<!tpu.dma_semaphore, #tpu.memory_space<semaphore_mem>>)
      %mul3A_205 = arith.constant 8 : i32
      %mul3A_206 = arith.muli %add3A_150, %mul3A_205 : i32
      %add3A_207 = arith.constant 4 : i32
      %add3A_208 = arith.addi %mul3A_206, %add3A_207 : i32
      %dma_start3A_209 = arith.constant 512 : i32
      %dma_start3A_210 = arith.constant 0 : i32
      %dma_start3A_211 = tpu.memref_slice %arg7[%dma_start3A_209, %dma_start3A_210] : memref<1024x32xf32, #tpu.memory_space<vmem>> -> memref<128x32xf32, #tpu.memory_space<vmem>>
      %dma_start3A_212 = arith.constant 0 : i32
      %dma_start3A_213 = tpu.memref_slice %arg5[%add3A_208, %dma_start3A_212] : memref<200x128xi32, #tpu.memory_space<vmem>> -> memref<1x128xi32, #tpu.memory_space<vmem>>
      %dma_start3A_214 = tpu.memref_squeeze %dma_start3A_213 : memref<1x128xi32, #tpu.memory_space<vmem>> -> memref<128xi32, #tpu.memory_space<vmem>>
      %dma_start3A_215 = arith.constant 0 : i32
      %dma_start3A_216 = arith.constant 0 : i32
      %dma_start3A_217 = tpu.memref_slice %arg3[%dma_start3A_215, %dma_start3A_216] : memref<4000000x32xf32, #tpu.memory_space<hbm>> -> memref<4000000x32xf32, #tpu.memory_space<hbm>>
      tpu.enqueue_indirect_dma source(%dma_start3A_217 : memref<4000000x32xf32, #tpu.memory_space<hbm>>) target(%dma_start3A_211 : memref<128x32xf32, #tpu.memory_space<vmem>>) offsets(%dma_start3A_214 : memref<128xi32, #tpu.memory_space<vmem>>) semaphore(%arg9 : memref<!tpu.dma_semaphore, #tpu.memory_space<semaphore_mem>>)
      %mul3A_218 = arith.constant 8 : i32
      %mul3A_219 = arith.muli %add3A_150, %mul3A_218 : i32
      %add3A_220 = arith.constant 5 : i32
      %add3A_221 = arith.addi %mul3A_219, %add3A_220 : i32
      %dma_start3A_222 = arith.constant 640 : i32
      %dma_start3A_223 = arith.constant 0 : i32
      %dma_start3A_224 = tpu.memref_slice %arg7[%dma_start3A_222, %dma_start3A_223] : memref<1024x32xf32, #tpu.memory_space<vmem>> -> memref<128x32xf32, #tpu.memory_space<vmem>>
      %dma_start3A_225 = arith.constant 0 : i32
      %dma_start3A_226 = tpu.memref_slice %arg5[%add3A_221, %dma_start3A_225] : memref<200x128xi32, #tpu.memory_space<vmem>> -> memref<1x128xi32, #tpu.memory_space<vmem>>
      %dma_start3A_227 = tpu.memref_squeeze %dma_start3A_226 : memref<1x128xi32, #tpu.memory_space<vmem>> -> memref<128xi32, #tpu.memory_space<vmem>>
      %dma_start3A_228 = arith.constant 0 : i32
      %dma_start3A_229 = arith.constant 0 : i32
      %dma_start3A_230 = tpu.memref_slice %arg3[%dma_start3A_228, %dma_start3A_229] : memref<4000000x32xf32, #tpu.memory_space<hbm>> -> memref<4000000x32xf32, #tpu.memory_space<hbm>>
      tpu.enqueue_indirect_dma source(%dma_start3A_230 : memref<4000000x32xf32, #tpu.memory_space<hbm>>) target(%dma_start3A_224 : memref<128x32xf32, #tpu.memory_space<vmem>>) offsets(%dma_start3A_227 : memref<128xi32, #tpu.memory_space<vmem>>) semaphore(%arg9 : memref<!tpu.dma_semaphore, #tpu.memory_space<semaphore_mem>>)
      %mul3A_231 = arith.constant 8 : i32
      %mul3A_232 = arith.muli %add3A_150, %mul3A_231 : i32
      %add3A_233 = arith.constant 6 : i32
      %add3A_234 = arith.addi %mul3A_232, %add3A_233 : i32
      %dma_start3A_235 = arith.constant 768 : i32
      %dma_start3A_236 = arith.constant 0 : i32
      %dma_start3A_237 = tpu.memref_slice %arg7[%dma_start3A_235, %dma_start3A_236] : memref<1024x32xf32, #tpu.memory_space<vmem>> -> memref<128x32xf32, #tpu.memory_space<vmem>>
      %dma_start3A_238 = arith.constant 0 : i32
      %dma_start3A_239 = tpu.memref_slice %arg5[%add3A_234, %dma_start3A_238] : memref<200x128xi32, #tpu.memory_space<vmem>> -> memref<1x128xi32, #tpu.memory_space<vmem>>
      %dma_start3A_240 = tpu.memref_squeeze %dma_start3A_239 : memref<1x128xi32, #tpu.memory_space<vmem>> -> memref<128xi32, #tpu.memory_space<vmem>>
      %dma_start3A_241 = arith.constant 0 : i32
      %dma_start3A_242 = arith.constant 0 : i32
      %dma_start3A_243 = tpu.memref_slice %arg3[%dma_start3A_241, %dma_start3A_242] : memref<4000000x32xf32, #tpu.memory_space<hbm>> -> memref<4000000x32xf32, #tpu.memory_space<hbm>>
      tpu.enqueue_indirect_dma source(%dma_start3A_243 : memref<4000000x32xf32, #tpu.memory_space<hbm>>) target(%dma_start3A_237 : memref<128x32xf32, #tpu.memory_space<vmem>>) offsets(%dma_start3A_240 : memref<128xi32, #tpu.memory_space<vmem>>) semaphore(%arg9 : memref<!tpu.dma_semaphore, #tpu.memory_space<semaphore_mem>>)
      %mul3A_244 = arith.constant 8 : i32
      %mul3A_245 = arith.muli %add3A_150, %mul3A_244 : i32
      %add3A_246 = arith.constant 7 : i32
      %add3A_247 = arith.addi %mul3A_245, %add3A_246 : i32
      %dma_start3A_248 = arith.constant 896 : i32
      %dma_start3A_249 = arith.constant 0 : i32
      %dma_start3A_250 = tpu.memref_slice %arg7[%dma_start3A_248, %dma_start3A_249] : memref<1024x32xf32, #tpu.memory_space<vmem>> -> memref<128x32xf32, #tpu.memory_space<vmem>>
      %dma_start3A_251 = arith.constant 0 : i32
      %dma_start3A_252 = tpu.memref_slice %arg5[%add3A_247, %dma_start3A_251] : memref<200x128xi32, #tpu.memory_space<vmem>> -> memref<1x128xi32, #tpu.memory_space<vmem>>
      %dma_start3A_253 = tpu.memref_squeeze %dma_start3A_252 : memref<1x128xi32, #tpu.memory_space<vmem>> -> memref<128xi32, #tpu.memory_space<vmem>>
      %dma_start3A_254 = arith.constant 0 : i32
      %dma_start3A_255 = arith.constant 0 : i32
      %dma_start3A_256 = tpu.memref_slice %arg3[%dma_start3A_254, %dma_start3A_255] : memref<4000000x32xf32, #tpu.memory_space<hbm>> -> memref<4000000x32xf32, #tpu.memory_space<hbm>>
      tpu.enqueue_indirect_dma source(%dma_start3A_256 : memref<4000000x32xf32, #tpu.memory_space<hbm>>) target(%dma_start3A_250 : memref<128x32xf32, #tpu.memory_space<vmem>>) offsets(%dma_start3A_253 : memref<128xi32, #tpu.memory_space<vmem>>) semaphore(%arg9 : memref<!tpu.dma_semaphore, #tpu.memory_space<semaphore_mem>>)
      %dma_wait3A_257 = arith.constant 0 : i32
      %dma_wait3A_258 = arith.constant 0 : i32
      %dma_wait3A_259 = arith.constant 0 : i32
      %dma_wait3A_260 = tpu.memref_slice %arg4[%add3A, %dma_wait3A_257, %dma_wait3A_258, %dma_wait3A_259] : memref<32x25x1024x128xf32, #tpu.memory_space<hbm>> -> memref<1x1x1024x128xf32, #tpu.memory_space<hbm>>
      %dma_wait3A_261 = tpu.memref_squeeze %dma_wait3A_260 : memref<1x1x1024x128xf32, #tpu.memory_space<hbm>> -> memref<1024x128xf32, #tpu.memory_space<hbm>>
      %dma_wait3A_262 = arith.constant 0 : i32
      %dma_wait3A_263 = arith.constant 0 : i32
      %dma_wait3A_264 = tpu.memref_slice %dma_wait3A_261[%dma_wait3A_262, %dma_wait3A_263] : memref<1024x128xf32, #tpu.memory_space<hbm>> -> memref<1024x32xf32, #tpu.memory_space<hbm>>
      %dma_wait3A_265 = arith.constant 0 : i32
      %dma_wait3A_266 = arith.constant 0 : i32
      %dma_wait3A_267 = tpu.memref_slice %arg4[%add3A, %dma_wait3A_257, %dma_wait3A_265, %dma_wait3A_266] : memref<32x25x1024x128xf32, #tpu.memory_space<hbm>> -> memref<1x1x1024x128xf32, #tpu.memory_space<hbm>>
      %dma_wait3A_268 = tpu.memref_squeeze %dma_wait3A_267 : memref<1x1x1024x128xf32, #tpu.memory_space<hbm>> -> memref<1024x128xf32, #tpu.memory_space<hbm>>
      %dma_wait3A_269 = arith.constant 0 : i32
      %dma_wait3A_270 = arith.constant 0 : i32
      %dma_wait3A_271 = tpu.memref_slice %dma_wait3A_268[%dma_wait3A_269, %dma_wait3A_270] : memref<1024x128xf32, #tpu.memory_space<hbm>> -> memref<1024x32xf32, #tpu.memory_space<hbm>>
      tpu.wait_dma2 semaphore(%arg8 : memref<!tpu.dma_semaphore, #tpu.memory_space<semaphore_mem>>) src(%dma_wait3A_271 : memref<1024x32xf32, #tpu.memory_space<hbm>>) dst(%arg6 : memref<1024x32xf32, #tpu.memory_space<vmem>>)
      %sub3A = arith.constant 1 : i32
      %sub3A_272 = arith.subi %add3A_150, %sub3A : i32
      %dma_start3A_273 = arith.constant 0 : i32
      %dma_start3A_274 = arith.constant 0 : i32
      %dma_start3A_275 = tpu.memref_slice %arg4[%add3A, %sub3A_272, %dma_start3A_273, %dma_start3A_274] : memref<32x25x1024x128xf32, #tpu.memory_space<hbm>> -> memref<1x1x1024x128xf32, #tpu.memory_space<hbm>>
      %dma_start3A_276 = tpu.memref_squeeze %dma_start3A_275 : memref<1x1x1024x128xf32, #tpu.memory_space<hbm>> -> memref<1024x128xf32, #tpu.memory_space<hbm>>
      %dma_start3A_277 = arith.constant 0 : i32
      %dma_start3A_278 = arith.constant 0 : i32
      %dma_start3A_279 = tpu.memref_slice %dma_start3A_276[%dma_start3A_277, %dma_start3A_278] : memref<1024x128xf32, #tpu.memory_space<hbm>> -> memref<1024x32xf32, #tpu.memory_space<hbm>>
      %dma_start3A_280 = arith.constant 0 : i32
      %dma_start3A_281 = arith.constant 0 : i32
      %dma_start3A_282 = tpu.memref_slice %arg4[%add3A, %sub3A_272, %dma_start3A_280, %dma_start3A_281] : memref<32x25x1024x128xf32, #tpu.memory_space<hbm>> -> memref<1x1x1024x128xf32, #tpu.memory_space<hbm>>
      %dma_start3A_283 = tpu.memref_squeeze %dma_start3A_282 : memref<1x1x1024x128xf32, #tpu.memory_space<hbm>> -> memref<1024x128xf32, #tpu.memory_space<hbm>>
      %dma_start3A_284 = arith.constant 0 : i32
      %dma_start3A_285 = arith.constant 0 : i32
      %dma_start3A_286 = tpu.memref_slice %dma_start3A_283[%dma_start3A_284, %dma_start3A_285] : memref<1024x128xf32, #tpu.memory_space<hbm>> -> memref<1024x32xf32, #tpu.memory_space<hbm>>
      tpu.enqueue_dma source(%arg6 : memref<1024x32xf32, #tpu.memory_space<vmem>>) target(%dma_start3A_286 : memref<1024x32xf32, #tpu.memory_space<hbm>>) target_semaphore(%arg10 : memref<!tpu.dma_semaphore, #tpu.memory_space<semaphore_mem>>)
      %mul3A_287 = arith.constant 2 : i32
      %mul3A_288 = arith.muli %mul3A_287, %scan3A_144 : i32
      %add3A_289 = arith.constant 1 : i32
      %add3A_290 = arith.addi %add3A_289, %mul3A_288 : i32
      %add3A_291 = arith.constant 1 : i32
      %add3A_292 = arith.addi %add3A_290, %add3A_291 : i32
      %ge3A_293 = arith.constant 2 : i32
      %ge3A_294 = arith.cmpi sge, %add3A_292, %ge3A_293 : i32
      %convert_element_type3A_295 = arith.extui %ge3A_294 : i1 to i32
      %cond3A_296 = arith.constant 0 : i32
      %cond3A_297 = arith.cmpi ne, %convert_element_type3A_295, %cond3A_296 : i32
      scf.if %cond3A_297 {
        %dma_wait3A_433 = arith.constant 0 : i32
        %dma_wait3A_434 = arith.constant 0 : i32
        %dma_wait3A_435 = arith.constant 0 : i32
        %dma_wait3A_436 = tpu.memref_slice %arg4[%add3A, %dma_wait3A_433, %dma_wait3A_434, %dma_wait3A_435] : memref<32x25x1024x128xf32, #tpu.memory_space<hbm>> -> memref<1x1x1024x128xf32, #tpu.memory_space<hbm>>
        %dma_wait3A_437 = tpu.memref_squeeze %dma_wait3A_436 : memref<1x1x1024x128xf32, #tpu.memory_space<hbm>> -> memref<1024x128xf32, #tpu.memory_space<hbm>>
        %dma_wait3A_438 = arith.constant 0 : i32
        %dma_wait3A_439 = arith.constant 0 : i32
        %dma_wait3A_440 = tpu.memref_slice %dma_wait3A_437[%dma_wait3A_438, %dma_wait3A_439] : memref<1024x128xf32, #tpu.memory_space<hbm>> -> memref<1024x32xf32, #tpu.memory_space<hbm>>
        %dma_wait3A_441 = arith.constant 0 : i32
        %dma_wait3A_442 = arith.constant 0 : i32
        %dma_wait3A_443 = tpu.memref_slice %arg4[%add3A, %dma_wait3A_433, %dma_wait3A_441, %dma_wait3A_442] : memref<32x25x1024x128xf32, #tpu.memory_space<hbm>> -> memref<1x1x1024x128xf32, #tpu.memory_space<hbm>>
        %dma_wait3A_444 = tpu.memref_squeeze %dma_wait3A_443 : memref<1x1x1024x128xf32, #tpu.memory_space<hbm>> -> memref<1024x128xf32, #tpu.memory_space<hbm>>
        %dma_wait3A_445 = arith.constant 0 : i32
        %dma_wait3A_446 = arith.constant 0 : i32
        %dma_wait3A_447 = tpu.memref_slice %dma_wait3A_444[%dma_wait3A_445, %dma_wait3A_446] : memref<1024x128xf32, #tpu.memory_space<hbm>> -> memref<1024x32xf32, #tpu.memory_space<hbm>>
        tpu.wait_dma2 semaphore(%arg10 : memref<!tpu.dma_semaphore, #tpu.memory_space<semaphore_mem>>) src(%arg6 : memref<1024x32xf32, #tpu.memory_space<vmem>>) dst(%dma_wait3A_447 : memref<1024x32xf32, #tpu.memory_space<hbm>>)
      } else {
      }
      %mul3A_298 = arith.constant 8 : i32
      %mul3A_299 = arith.muli %add3A_292, %mul3A_298 : i32
      %add3A_300 = arith.constant 0 : i32
      %add3A_301 = arith.addi %mul3A_299, %add3A_300 : i32
      %dma_start3A_302 = arith.constant 0 : i32
      %dma_start3A_303 = arith.constant 0 : i32
      %dma_start3A_304 = tpu.memref_slice %arg6[%dma_start3A_302, %dma_start3A_303] : memref<1024x32xf32, #tpu.memory_space<vmem>> -> memref<128x32xf32, #tpu.memory_space<vmem>>
      %dma_start3A_305 = arith.constant 0 : i32
      %dma_start3A_306 = tpu.memref_slice %arg5[%add3A_301, %dma_start3A_305] : memref<200x128xi32, #tpu.memory_space<vmem>> -> memref<1x128xi32, #tpu.memory_space<vmem>>
      %dma_start3A_307 = tpu.memref_squeeze %dma_start3A_306 : memref<1x128xi32, #tpu.memory_space<vmem>> -> memref<128xi32, #tpu.memory_space<vmem>>
      %dma_start3A_308 = arith.constant 0 : i32
      %dma_start3A_309 = arith.constant 0 : i32
      %dma_start3A_310 = tpu.memref_slice %arg3[%dma_start3A_308, %dma_start3A_309] : memref<4000000x32xf32, #tpu.memory_space<hbm>> -> memref<4000000x32xf32, #tpu.memory_space<hbm>>
      tpu.enqueue_indirect_dma source(%dma_start3A_310 : memref<4000000x32xf32, #tpu.memory_space<hbm>>) target(%dma_start3A_304 : memref<128x32xf32, #tpu.memory_space<vmem>>) offsets(%dma_start3A_307 : memref<128xi32, #tpu.memory_space<vmem>>) semaphore(%arg8 : memref<!tpu.dma_semaphore, #tpu.memory_space<semaphore_mem>>)
      %mul3A_311 = arith.constant 8 : i32
      %mul3A_312 = arith.muli %add3A_292, %mul3A_311 : i32
      %add3A_313 = arith.constant 1 : i32
      %add3A_314 = arith.addi %mul3A_312, %add3A_313 : i32
      %dma_start3A_315 = arith.constant 128 : i32
      %dma_start3A_316 = arith.constant 0 : i32
      %dma_start3A_317 = tpu.memref_slice %arg6[%dma_start3A_315, %dma_start3A_316] : memref<1024x32xf32, #tpu.memory_space<vmem>> -> memref<128x32xf32, #tpu.memory_space<vmem>>
      %dma_start3A_318 = arith.constant 0 : i32
      %dma_start3A_319 = tpu.memref_slice %arg5[%add3A_314, %dma_start3A_318] : memref<200x128xi32, #tpu.memory_space<vmem>> -> memref<1x128xi32, #tpu.memory_space<vmem>>
      %dma_start3A_320 = tpu.memref_squeeze %dma_start3A_319 : memref<1x128xi32, #tpu.memory_space<vmem>> -> memref<128xi32, #tpu.memory_space<vmem>>
      %dma_start3A_321 = arith.constant 0 : i32
      %dma_start3A_322 = arith.constant 0 : i32
      %dma_start3A_323 = tpu.memref_slice %arg3[%dma_start3A_321, %dma_start3A_322] : memref<4000000x32xf32, #tpu.memory_space<hbm>> -> memref<4000000x32xf32, #tpu.memory_space<hbm>>
      tpu.enqueue_indirect_dma source(%dma_start3A_323 : memref<4000000x32xf32, #tpu.memory_space<hbm>>) target(%dma_start3A_317 : memref<128x32xf32, #tpu.memory_space<vmem>>) offsets(%dma_start3A_320 : memref<128xi32, #tpu.memory_space<vmem>>) semaphore(%arg8 : memref<!tpu.dma_semaphore, #tpu.memory_space<semaphore_mem>>)
      %mul3A_324 = arith.constant 8 : i32
      %mul3A_325 = arith.muli %add3A_292, %mul3A_324 : i32
      %add3A_326 = arith.constant 2 : i32
      %add3A_327 = arith.addi %mul3A_325, %add3A_326 : i32
      %dma_start3A_328 = arith.constant 256 : i32
      %dma_start3A_329 = arith.constant 0 : i32
      %dma_start3A_330 = tpu.memref_slice %arg6[%dma_start3A_328, %dma_start3A_329] : memref<1024x32xf32, #tpu.memory_space<vmem>> -> memref<128x32xf32, #tpu.memory_space<vmem>>
      %dma_start3A_331 = arith.constant 0 : i32
      %dma_start3A_332 = tpu.memref_slice %arg5[%add3A_327, %dma_start3A_331] : memref<200x128xi32, #tpu.memory_space<vmem>> -> memref<1x128xi32, #tpu.memory_space<vmem>>
      %dma_start3A_333 = tpu.memref_squeeze %dma_start3A_332 : memref<1x128xi32, #tpu.memory_space<vmem>> -> memref<128xi32, #tpu.memory_space<vmem>>
      %dma_start3A_334 = arith.constant 0 : i32
      %dma_start3A_335 = arith.constant 0 : i32
      %dma_start3A_336 = tpu.memref_slice %arg3[%dma_start3A_334, %dma_start3A_335] : memref<4000000x32xf32, #tpu.memory_space<hbm>> -> memref<4000000x32xf32, #tpu.memory_space<hbm>>
      tpu.enqueue_indirect_dma source(%dma_start3A_336 : memref<4000000x32xf32, #tpu.memory_space<hbm>>) target(%dma_start3A_330 : memref<128x32xf32, #tpu.memory_space<vmem>>) offsets(%dma_start3A_333 : memref<128xi32, #tpu.memory_space<vmem>>) semaphore(%arg8 : memref<!tpu.dma_semaphore, #tpu.memory_space<semaphore_mem>>)
      %mul3A_337 = arith.constant 8 : i32
      %mul3A_338 = arith.muli %add3A_292, %mul3A_337 : i32
      %add3A_339 = arith.constant 3 : i32
      %add3A_340 = arith.addi %mul3A_338, %add3A_339 : i32
      %dma_start3A_341 = arith.constant 384 : i32
      %dma_start3A_342 = arith.constant 0 : i32
      %dma_start3A_343 = tpu.memref_slice %arg6[%dma_start3A_341, %dma_start3A_342] : memref<1024x32xf32, #tpu.memory_space<vmem>> -> memref<128x32xf32, #tpu.memory_space<vmem>>
      %dma_start3A_344 = arith.constant 0 : i32
      %dma_start3A_345 = tpu.memref_slice %arg5[%add3A_340, %dma_start3A_344] : memref<200x128xi32, #tpu.memory_space<vmem>> -> memref<1x128xi32, #tpu.memory_space<vmem>>
      %dma_start3A_346 = tpu.memref_squeeze %dma_start3A_345 : memref<1x128xi32, #tpu.memory_space<vmem>> -> memref<128xi32, #tpu.memory_space<vmem>>
      %dma_start3A_347 = arith.constant 0 : i32
      %dma_start3A_348 = arith.constant 0 : i32
      %dma_start3A_349 = tpu.memref_slice %arg3[%dma_start3A_347, %dma_start3A_348] : memref<4000000x32xf32, #tpu.memory_space<hbm>> -> memref<4000000x32xf32, #tpu.memory_space<hbm>>
      tpu.enqueue_indirect_dma source(%dma_start3A_349 : memref<4000000x32xf32, #tpu.memory_space<hbm>>) target(%dma_start3A_343 : memref<128x32xf32, #tpu.memory_space<vmem>>) offsets(%dma_start3A_346 : memref<128xi32, #tpu.memory_space<vmem>>) semaphore(%arg8 : memref<!tpu.dma_semaphore, #tpu.memory_space<semaphore_mem>>)
      %mul3A_350 = arith.constant 8 : i32
      %mul3A_351 = arith.muli %add3A_292, %mul3A_350 : i32
      %add3A_352 = arith.constant 4 : i32
      %add3A_353 = arith.addi %mul3A_351, %add3A_352 : i32
      %dma_start3A_354 = arith.constant 512 : i32
      %dma_start3A_355 = arith.constant 0 : i32
      %dma_start3A_356 = tpu.memref_slice %arg6[%dma_start3A_354, %dma_start3A_355] : memref<1024x32xf32, #tpu.memory_space<vmem>> -> memref<128x32xf32, #tpu.memory_space<vmem>>
      %dma_start3A_357 = arith.constant 0 : i32
      %dma_start3A_358 = tpu.memref_slice %arg5[%add3A_353, %dma_start3A_357] : memref<200x128xi32, #tpu.memory_space<vmem>> -> memref<1x128xi32, #tpu.memory_space<vmem>>
      %dma_start3A_359 = tpu.memref_squeeze %dma_start3A_358 : memref<1x128xi32, #tpu.memory_space<vmem>> -> memref<128xi32, #tpu.memory_space<vmem>>
      %dma_start3A_360 = arith.constant 0 : i32
      %dma_start3A_361 = arith.constant 0 : i32
      %dma_start3A_362 = tpu.memref_slice %arg3[%dma_start3A_360, %dma_start3A_361] : memref<4000000x32xf32, #tpu.memory_space<hbm>> -> memref<4000000x32xf32, #tpu.memory_space<hbm>>
      tpu.enqueue_indirect_dma source(%dma_start3A_362 : memref<4000000x32xf32, #tpu.memory_space<hbm>>) target(%dma_start3A_356 : memref<128x32xf32, #tpu.memory_space<vmem>>) offsets(%dma_start3A_359 : memref<128xi32, #tpu.memory_space<vmem>>) semaphore(%arg8 : memref<!tpu.dma_semaphore, #tpu.memory_space<semaphore_mem>>)
      %mul3A_363 = arith.constant 8 : i32
      %mul3A_364 = arith.muli %add3A_292, %mul3A_363 : i32
      %add3A_365 = arith.constant 5 : i32
      %add3A_366 = arith.addi %mul3A_364, %add3A_365 : i32
      %dma_start3A_367 = arith.constant 640 : i32
      %dma_start3A_368 = arith.constant 0 : i32
      %dma_start3A_369 = tpu.memref_slice %arg6[%dma_start3A_367, %dma_start3A_368] : memref<1024x32xf32, #tpu.memory_space<vmem>> -> memref<128x32xf32, #tpu.memory_space<vmem>>
      %dma_start3A_370 = arith.constant 0 : i32
      %dma_start3A_371 = tpu.memref_slice %arg5[%add3A_366, %dma_start3A_370] : memref<200x128xi32, #tpu.memory_space<vmem>> -> memref<1x128xi32, #tpu.memory_space<vmem>>
      %dma_start3A_372 = tpu.memref_squeeze %dma_start3A_371 : memref<1x128xi32, #tpu.memory_space<vmem>> -> memref<128xi32, #tpu.memory_space<vmem>>
      %dma_start3A_373 = arith.constant 0 : i32
      %dma_start3A_374 = arith.constant 0 : i32
      %dma_start3A_375 = tpu.memref_slice %arg3[%dma_start3A_373, %dma_start3A_374] : memref<4000000x32xf32, #tpu.memory_space<hbm>> -> memref<4000000x32xf32, #tpu.memory_space<hbm>>
      tpu.enqueue_indirect_dma source(%dma_start3A_375 : memref<4000000x32xf32, #tpu.memory_space<hbm>>) target(%dma_start3A_369 : memref<128x32xf32, #tpu.memory_space<vmem>>) offsets(%dma_start3A_372 : memref<128xi32, #tpu.memory_space<vmem>>) semaphore(%arg8 : memref<!tpu.dma_semaphore, #tpu.memory_space<semaphore_mem>>)
      %mul3A_376 = arith.constant 8 : i32
      %mul3A_377 = arith.muli %add3A_292, %mul3A_376 : i32
      %add3A_378 = arith.constant 6 : i32
      %add3A_379 = arith.addi %mul3A_377, %add3A_378 : i32
      %dma_start3A_380 = arith.constant 768 : i32
      %dma_start3A_381 = arith.constant 0 : i32
      %dma_start3A_382 = tpu.memref_slice %arg6[%dma_start3A_380, %dma_start3A_381] : memref<1024x32xf32, #tpu.memory_space<vmem>> -> memref<128x32xf32, #tpu.memory_space<vmem>>
      %dma_start3A_383 = arith.constant 0 : i32
      %dma_start3A_384 = tpu.memref_slice %arg5[%add3A_379, %dma_start3A_383] : memref<200x128xi32, #tpu.memory_space<vmem>> -> memref<1x128xi32, #tpu.memory_space<vmem>>
      %dma_start3A_385 = tpu.memref_squeeze %dma_start3A_384 : memref<1x128xi32, #tpu.memory_space<vmem>> -> memref<128xi32, #tpu.memory_space<vmem>>
      %dma_start3A_386 = arith.constant 0 : i32
      %dma_start3A_387 = arith.constant 0 : i32
      %dma_start3A_388 = tpu.memref_slice %arg3[%dma_start3A_386, %dma_start3A_387] : memref<4000000x32xf32, #tpu.memory_space<hbm>> -> memref<4000000x32xf32, #tpu.memory_space<hbm>>
      tpu.enqueue_indirect_dma source(%dma_start3A_388 : memref<4000000x32xf32, #tpu.memory_space<hbm>>) target(%dma_start3A_382 : memref<128x32xf32, #tpu.memory_space<vmem>>) offsets(%dma_start3A_385 : memref<128xi32, #tpu.memory_space<vmem>>) semaphore(%arg8 : memref<!tpu.dma_semaphore, #tpu.memory_space<semaphore_mem>>)
      %mul3A_389 = arith.constant 8 : i32
      %mul3A_390 = arith.muli %add3A_292, %mul3A_389 : i32
      %add3A_391 = arith.constant 7 : i32
      %add3A_392 = arith.addi %mul3A_390, %add3A_391 : i32
      %dma_start3A_393 = arith.constant 896 : i32
      %dma_start3A_394 = arith.constant 0 : i32
      %dma_start3A_395 = tpu.memref_slice %arg6[%dma_start3A_393, %dma_start3A_394] : memref<1024x32xf32, #tpu.memory_space<vmem>> -> memref<128x32xf32, #tpu.memory_space<vmem>>
      %dma_start3A_396 = arith.constant 0 : i32
      %dma_start3A_397 = tpu.memref_slice %arg5[%add3A_392, %dma_start3A_396] : memref<200x128xi32, #tpu.memory_space<vmem>> -> memref<1x128xi32, #tpu.memory_space<vmem>>
      %dma_start3A_398 = tpu.memref_squeeze %dma_start3A_397 : memref<1x128xi32, #tpu.memory_space<vmem>> -> memref<128xi32, #tpu.memory_space<vmem>>
      %dma_start3A_399 = arith.constant 0 : i32
      %dma_start3A_400 = arith.constant 0 : i32
      %dma_start3A_401 = tpu.memref_slice %arg3[%dma_start3A_399, %dma_start3A_400] : memref<4000000x32xf32, #tpu.memory_space<hbm>> -> memref<4000000x32xf32, #tpu.memory_space<hbm>>
      tpu.enqueue_indirect_dma source(%dma_start3A_401 : memref<4000000x32xf32, #tpu.memory_space<hbm>>) target(%dma_start3A_395 : memref<128x32xf32, #tpu.memory_space<vmem>>) offsets(%dma_start3A_398 : memref<128xi32, #tpu.memory_space<vmem>>) semaphore(%arg8 : memref<!tpu.dma_semaphore, #tpu.memory_space<semaphore_mem>>)
      %dma_wait3A_402 = arith.constant 0 : i32
      %dma_wait3A_403 = arith.constant 0 : i32
      %dma_wait3A_404 = arith.constant 0 : i32
      %dma_wait3A_405 = tpu.memref_slice %arg4[%add3A, %dma_wait3A_402, %dma_wait3A_403, %dma_wait3A_404] : memref<32x25x1024x128xf32, #tpu.memory_space<hbm>> -> memref<1x1x1024x128xf32, #tpu.memory_space<hbm>>
      %dma_wait3A_406 = tpu.memref_squeeze %dma_wait3A_405 : memref<1x1x1024x128xf32, #tpu.memory_space<hbm>> -> memref<1024x128xf32, #tpu.memory_space<hbm>>
      %dma_wait3A_407 = arith.constant 0 : i32
      %dma_wait3A_408 = arith.constant 0 : i32
      %dma_wait3A_409 = tpu.memref_slice %dma_wait3A_406[%dma_wait3A_407, %dma_wait3A_408] : memref<1024x128xf32, #tpu.memory_space<hbm>> -> memref<1024x32xf32, #tpu.memory_space<hbm>>
      %dma_wait3A_410 = arith.constant 0 : i32
      %dma_wait3A_411 = arith.constant 0 : i32
      %dma_wait3A_412 = tpu.memref_slice %arg4[%add3A, %dma_wait3A_402, %dma_wait3A_410, %dma_wait3A_411] : memref<32x25x1024x128xf32, #tpu.memory_space<hbm>> -> memref<1x1x1024x128xf32, #tpu.memory_space<hbm>>
      %dma_wait3A_413 = tpu.memref_squeeze %dma_wait3A_412 : memref<1x1x1024x128xf32, #tpu.memory_space<hbm>> -> memref<1024x128xf32, #tpu.memory_space<hbm>>
      %dma_wait3A_414 = arith.constant 0 : i32
      %dma_wait3A_415 = arith.constant 0 : i32
      %dma_wait3A_416 = tpu.memref_slice %dma_wait3A_413[%dma_wait3A_414, %dma_wait3A_415] : memref<1024x128xf32, #tpu.memory_space<hbm>> -> memref<1024x32xf32, #tpu.memory_space<hbm>>
      tpu.wait_dma2 semaphore(%arg9 : memref<!tpu.dma_semaphore, #tpu.memory_space<semaphore_mem>>) src(%dma_wait3A_416 : memref<1024x32xf32, #tpu.memory_space<hbm>>) dst(%arg7 : memref<1024x32xf32, #tpu.memory_space<vmem>>)
      %sub3A_417 = arith.constant 1 : i32
      %sub3A_418 = arith.subi %add3A_292, %sub3A_417 : i32
      %dma_start3A_419 = arith.constant 0 : i32
      %dma_start3A_420 = arith.constant 0 : i32
      %dma_start3A_421 = tpu.memref_slice %arg4[%add3A, %sub3A_418, %dma_start3A_419, %dma_start3A_420] : memref<32x25x1024x128xf32, #tpu.memory_space<hbm>> -> memref<1x1x1024x128xf32, #tpu.memory_space<hbm>>
      %dma_start3A_422 = tpu.memref_squeeze %dma_start3A_421 : memref<1x1x1024x128xf32, #tpu.memory_space<hbm>> -> memref<1024x128xf32, #tpu.memory_space<hbm>>
      %dma_start3A_423 = arith.constant 0 : i32
      %dma_start3A_424 = arith.constant 0 : i32
      %dma_start3A_425 = tpu.memref_slice %dma_start3A_422[%dma_start3A_423, %dma_start3A_424] : memref<1024x128xf32, #tpu.memory_space<hbm>> -> memref<1024x32xf32, #tpu.memory_space<hbm>>
      %dma_start3A_426 = arith.constant 0 : i32
      %dma_start3A_427 = arith.constant 0 : i32
      %dma_start3A_428 = tpu.memref_slice %arg4[%add3A, %sub3A_418, %dma_start3A_426, %dma_start3A_427] : memref<32x25x1024x128xf32, #tpu.memory_space<hbm>> -> memref<1x1x1024x128xf32, #tpu.memory_space<hbm>>
      %dma_start3A_429 = tpu.memref_squeeze %dma_start3A_428 : memref<1x1x1024x128xf32, #tpu.memory_space<hbm>> -> memref<1024x128xf32, #tpu.memory_space<hbm>>
      %dma_start3A_430 = arith.constant 0 : i32
      %dma_start3A_431 = arith.constant 0 : i32
      %dma_start3A_432 = tpu.memref_slice %dma_start3A_429[%dma_start3A_430, %dma_start3A_431] : memref<1024x128xf32, #tpu.memory_space<hbm>> -> memref<1024x32xf32, #tpu.memory_space<hbm>>
      tpu.enqueue_dma source(%arg7 : memref<1024x32xf32, #tpu.memory_space<vmem>>) target(%dma_start3A_432 : memref<1024x32xf32, #tpu.memory_space<hbm>>) target_semaphore(%arg11 : memref<!tpu.dma_semaphore, #tpu.memory_space<semaphore_mem>>)
    }
    %scan3A_84 = arith.constant 12 : i32
    %dma_wait3A = arith.constant 0 : i32
    %dma_wait3A_85 = arith.constant 0 : i32
    %dma_wait3A_86 = arith.constant 0 : i32
    %dma_wait3A_87 = tpu.memref_slice %arg4[%add3A, %dma_wait3A, %dma_wait3A_85, %dma_wait3A_86] : memref<32x25x1024x128xf32, #tpu.memory_space<hbm>> -> memref<1x1x1024x128xf32, #tpu.memory_space<hbm>>
    %dma_wait3A_88 = tpu.memref_squeeze %dma_wait3A_87 : memref<1x1x1024x128xf32, #tpu.memory_space<hbm>> -> memref<1024x128xf32, #tpu.memory_space<hbm>>
    %dma_wait3A_89 = arith.constant 0 : i32
    %dma_wait3A_90 = arith.constant 0 : i32
    %dma_wait3A_91 = tpu.memref_slice %dma_wait3A_88[%dma_wait3A_89, %dma_wait3A_90] : memref<1024x128xf32, #tpu.memory_space<hbm>> -> memref<1024x32xf32, #tpu.memory_space<hbm>>
    %dma_wait3A_92 = arith.constant 0 : i32
    %dma_wait3A_93 = arith.constant 0 : i32
    %dma_wait3A_94 = tpu.memref_slice %arg4[%add3A, %dma_wait3A, %dma_wait3A_92, %dma_wait3A_93] : memref<32x25x1024x128xf32, #tpu.memory_space<hbm>> -> memref<1x1x1024x128xf32, #tpu.memory_space<hbm>>
    %dma_wait3A_95 = tpu.memref_squeeze %dma_wait3A_94 : memref<1x1x1024x128xf32, #tpu.memory_space<hbm>> -> memref<1024x128xf32, #tpu.memory_space<hbm>>
    %dma_wait3A_96 = arith.constant 0 : i32
    %dma_wait3A_97 = arith.constant 0 : i32
    %dma_wait3A_98 = tpu.memref_slice %dma_wait3A_95[%dma_wait3A_96, %dma_wait3A_97] : memref<1024x128xf32, #tpu.memory_space<hbm>> -> memref<1024x32xf32, #tpu.memory_space<hbm>>
    tpu.wait_dma2 semaphore(%arg8 : memref<!tpu.dma_semaphore, #tpu.memory_space<semaphore_mem>>) src(%dma_wait3A_98 : memref<1024x32xf32, #tpu.memory_space<hbm>>) dst(%arg6 : memref<1024x32xf32, #tpu.memory_space<vmem>>)
    %dma_start3A_99 = arith.constant 24 : i32
    %dma_start3A_100 = arith.constant 0 : i32
    %dma_start3A_101 = arith.constant 0 : i32
    %dma_start3A_102 = tpu.memref_slice %arg4[%add3A, %dma_start3A_99, %dma_start3A_100, %dma_start3A_101] : memref<32x25x1024x128xf32, #tpu.memory_space<hbm>> -> memref<1x1x1024x128xf32, #tpu.memory_space<hbm>>
    %dma_start3A_103 = tpu.memref_squeeze %dma_start3A_102 : memref<1x1x1024x128xf32, #tpu.memory_space<hbm>> -> memref<1024x128xf32, #tpu.memory_space<hbm>>
    %dma_start3A_104 = arith.constant 0 : i32
    %dma_start3A_105 = arith.constant 0 : i32
    %dma_start3A_106 = tpu.memref_slice %dma_start3A_103[%dma_start3A_104, %dma_start3A_105] : memref<1024x128xf32, #tpu.memory_space<hbm>> -> memref<1024x32xf32, #tpu.memory_space<hbm>>
    %dma_start3A_107 = arith.constant 0 : i32
    %dma_start3A_108 = arith.constant 0 : i32
    %dma_start3A_109 = tpu.memref_slice %arg4[%add3A, %dma_start3A_99, %dma_start3A_107, %dma_start3A_108] : memref<32x25x1024x128xf32, #tpu.memory_space<hbm>> -> memref<1x1x1024x128xf32, #tpu.memory_space<hbm>>
    %dma_start3A_110 = tpu.memref_squeeze %dma_start3A_109 : memref<1x1x1024x128xf32, #tpu.memory_space<hbm>> -> memref<1024x128xf32, #tpu.memory_space<hbm>>
    %dma_start3A_111 = arith.constant 0 : i32
    %dma_start3A_112 = arith.constant 0 : i32
    %dma_start3A_113 = tpu.memref_slice %dma_start3A_110[%dma_start3A_111, %dma_start3A_112] : memref<1024x128xf32, #tpu.memory_space<hbm>> -> memref<1024x32xf32, #tpu.memory_space<hbm>>
    tpu.enqueue_dma source(%arg6 : memref<1024x32xf32, #tpu.memory_space<vmem>>) target(%dma_start3A_113 : memref<1024x32xf32, #tpu.memory_space<hbm>>) target_semaphore(%arg10 : memref<!tpu.dma_semaphore, #tpu.memory_space<semaphore_mem>>)
    %dma_wait3A_114 = arith.constant 0 : i32
    %dma_wait3A_115 = arith.constant 0 : i32
    %dma_wait3A_116 = arith.constant 0 : i32
    %dma_wait3A_117 = tpu.memref_slice %arg4[%add3A, %dma_wait3A_114, %dma_wait3A_115, %dma_wait3A_116] : memref<32x25x1024x128xf32, #tpu.memory_space<hbm>> -> memref<1x1x1024x128xf32, #tpu.memory_space<hbm>>
    %dma_wait3A_118 = tpu.memref_squeeze %dma_wait3A_117 : memref<1x1x1024x128xf32, #tpu.memory_space<hbm>> -> memref<1024x128xf32, #tpu.memory_space<hbm>>
    %dma_wait3A_119 = arith.constant 0 : i32
    %dma_wait3A_120 = arith.constant 0 : i32
    %dma_wait3A_121 = tpu.memref_slice %dma_wait3A_118[%dma_wait3A_119, %dma_wait3A_120] : memref<1024x128xf32, #tpu.memory_space<hbm>> -> memref<1024x32xf32, #tpu.memory_space<hbm>>
    %dma_wait3A_122 = arith.constant 0 : i32
    %dma_wait3A_123 = arith.constant 0 : i32
    %dma_wait3A_124 = tpu.memref_slice %arg4[%add3A, %dma_wait3A_114, %dma_wait3A_122, %dma_wait3A_123] : memref<32x25x1024x128xf32, #tpu.memory_space<hbm>> -> memref<1x1x1024x128xf32, #tpu.memory_space<hbm>>
    %dma_wait3A_125 = tpu.memref_squeeze %dma_wait3A_124 : memref<1x1x1024x128xf32, #tpu.memory_space<hbm>> -> memref<1024x128xf32, #tpu.memory_space<hbm>>
    %dma_wait3A_126 = arith.constant 0 : i32
    %dma_wait3A_127 = arith.constant 0 : i32
    %dma_wait3A_128 = tpu.memref_slice %dma_wait3A_125[%dma_wait3A_126, %dma_wait3A_127] : memref<1024x128xf32, #tpu.memory_space<hbm>> -> memref<1024x32xf32, #tpu.memory_space<hbm>>
    tpu.wait_dma2 semaphore(%arg11 : memref<!tpu.dma_semaphore, #tpu.memory_space<semaphore_mem>>) src(%arg7 : memref<1024x32xf32, #tpu.memory_space<vmem>>) dst(%dma_wait3A_128 : memref<1024x32xf32, #tpu.memory_space<hbm>>)
    %dma_wait3A_129 = arith.constant 0 : i32
    %dma_wait3A_130 = arith.constant 0 : i32
    %dma_wait3A_131 = arith.constant 0 : i32
    %dma_wait3A_132 = tpu.memref_slice %arg4[%add3A, %dma_wait3A_129, %dma_wait3A_130, %dma_wait3A_131] : memref<32x25x1024x128xf32, #tpu.memory_space<hbm>> -> memref<1x1x1024x128xf32, #tpu.memory_space<hbm>>
    %dma_wait3A_133 = tpu.memref_squeeze %dma_wait3A_132 : memref<1x1x1024x128xf32, #tpu.memory_space<hbm>> -> memref<1024x128xf32, #tpu.memory_space<hbm>>
    %dma_wait3A_134 = arith.constant 0 : i32
    %dma_wait3A_135 = arith.constant 0 : i32
    %dma_wait3A_136 = tpu.memref_slice %dma_wait3A_133[%dma_wait3A_134, %dma_wait3A_135] : memref<1024x128xf32, #tpu.memory_space<hbm>> -> memref<1024x32xf32, #tpu.memory_space<hbm>>
    %dma_wait3A_137 = arith.constant 0 : i32
    %dma_wait3A_138 = arith.constant 0 : i32
    %dma_wait3A_139 = tpu.memref_slice %arg4[%add3A, %dma_wait3A_129, %dma_wait3A_137, %dma_wait3A_138] : memref<32x25x1024x128xf32, #tpu.memory_space<hbm>> -> memref<1x1x1024x128xf32, #tpu.memory_space<hbm>>
    %dma_wait3A_140 = tpu.memref_squeeze %dma_wait3A_139 : memref<1x1x1024x128xf32, #tpu.memory_space<hbm>> -> memref<1024x128xf32, #tpu.memory_space<hbm>>
    %dma_wait3A_141 = arith.constant 0 : i32
    %dma_wait3A_142 = arith.constant 0 : i32
    %dma_wait3A_143 = tpu.memref_slice %dma_wait3A_140[%dma_wait3A_141, %dma_wait3A_142] : memref<1024x128xf32, #tpu.memory_space<hbm>> -> memref<1024x32xf32, #tpu.memory_space<hbm>>
    tpu.wait_dma2 semaphore(%arg10 : memref<!tpu.dma_semaphore, #tpu.memory_space<semaphore_mem>>) src(%arg6 : memref<1024x32xf32, #tpu.memory_space<vmem>>) dst(%dma_wait3A_143 : memref<1024x32xf32, #tpu.memory_space<hbm>>)
    return
  }
}

</mosaic_0001>

<sc_bundles>
// kernel: kernel.3.cloned.1.call-start
scs
__scs_entry_jumppad:
0x0: {  	(pc) =	sbr.rel $0x88, $3  }
0x1: {  	(tag) =	ssettag $0x0;
	lr =	simm.s32 $0x1  }
0x2: {  	[smem:$0x3F9F] =	sst lr;
	_ =	strace $0xD0000000  }
0x3: {  	_ = 	snop  }
0x4: {  	_ = 	snop  }
0x5: {  	_ = 	snop  }
0x6: {  	_ = 	snop  }
0x7: {  	_ = 	snop  }
__scs_overlays_trampoline_lowered:
0x8: {  	[smem:$0x3FAE] =	sst s0  }
0x9: {  	[smem:$0x3FAF] =	sst s1  }
0xa: {  	[smem:$0x3FB0] =	sst s2  }
0xb: {  	[smem:$0x3FB1] =	sst s3  }
0xc: {  	[smem:$0x3FB2] =	sst s4  }
0xd: {  	[smem:$0x3FB3] =	sst s5  }
0xe: {  	[smem:$0x3FB4] =	sst s6  }
0xf: {  	[smem:$0x3FB5] =	sst s7  }
0x10: {  	[smem:$0x3FB6] =	sst s8  }
0x11: {  	[smem:$0x3FB7] =	sst s9;
	s0 =	simm.s32 @!p0 $0x0  }
0x12: {  	s1 =	sld [smem:$0x3F9D];
	s0 =	simm.s32 @p0 $0x1  }
0x13: {  	[smem:$0x3FB8] =	sst s0;
	s0 =	simm.s32 @!p1 $0x0  }
0x14: {  	s2 =	sld [smem:$0x3F9C];
	s0 =	simm.s32 @p1 $0x1  }
0x15: {  	[smem:$0x3FB9] =	sst s0;
	s0 =	simm.s32 @!p2 $0x0  }
0x16: {  	s3 =	sld [smem:$0x3FDB];
	s0 =	simm.s32 @p2 $0x1  }
0x17: {  	s4 =	simm.s32 $0x1BF5;
	[smem:$0x3FBB] =	sst s0  }
0x18: {  	s0 =	sld [smem:$0x3F9E];
	_ =	swait.ge [sflag:s4], $0x0  }
0x19: {  	s7 =	sld [smem:$0x3F9F]  }
0x1a: {  	s8 =	sadd.s32 $0xFFFFE003, lr  }
0x1b: {  	s9 =	sadd.s32 $0xFFFFFEF7, lr;
	s5 =	simm.s32 $0xFFFFFFFF;
	p2 =	slt.u32 s8, $0xFFFFF086  }
0x1c: {  	p1 =	slt.u32 s9, $0xF7A;
	s5 =	simm.s32 @!p2 $0x0  }
0x1d: {  	s5 =	simm.s32 @p1 $0x1;
	p0 =	seq.s32 s7, s2  }
0x1e: {  	s7 =	smul.u32 @!p0 $0xF7A, s2;
	p2 =	seq.s32 @!p0 s5, $0x0  }
0x1f: {  	s9 =	smul.u32 $0xF7A, s1;
	s8 =	simm.s32 @!p0 $0x1BF5;
	p2 =	por !p2, p0  }
0x20: {  	[sflag:s8] =	ssyncset.s32 @!p0 $0xFFFFF086;
	s6 =	sadd.s32 @!p0 s3, s7;
	s7 =	simm.s32 @!p0 $0x108  }
0x21: {  	s3 =	sadd.s32 s3, s9;
	s6 =	sadd.s32 @!p0 $0x88, s6;
	s7 =	simm.s32 @p2 $0x1082  }
0x22: {  	[simem:s7], [sflag:s8] =	dma.local @!p0 [hbm:s6], $0xF7A  }
0x23: {  	s9 =	sor.u32 $0xD0000000, s2;
	s6 =	simm.s32 $0x108;
	_ =	swait.ge @!p0 [sflag:s8], $0x0  }
0x24: {  	s3 =	sadd.s32 $0x88, s3;
	s6 =	simm.s32 @!p1 $0x1082;
	[sflag:s4] =	ssyncset.s32 $0xFFFFF086  }
0x25: {  	[simem:s6], [sflag:s4] =	dma.local [hbm:s3], $0xF7A  }
0x26: {  	[smem:$0x3F9F] =	sst s1;
	(tag) =	ssettag s2;
	_ =	strace s9  }
0x27: {  	s1 =	sld [smem:$0x3FAF]  }
0x28: {  	s2 =	sld [smem:$0x3FB0]  }
0x29: {  	s4 =	sld [smem:$0x3FB2]  }
0x2a: {  	p0 =	seq.s32 s5, $0x0;
	s5 =	sld [smem:$0x3FB3]  }
0x2b: {  	s6 =	sld [smem:$0x3FB4]  }
0x2c: {  	s7 =	sld [smem:$0x3FB5]  }
0x2d: {  	s3 =	simm.s32 $0x108;
	s8 =	sld [smem:$0x3FB6]  }
0x2e: {  	s3 =	simm.s32 @!p0 $0x1082;
	s9 =	sld [smem:$0x3FB7]  }
0x2f: {  	lr =	sadd.s32 s0, s3;
	s0 =	sld [smem:$0x3FAE]  }
0x30: {  	s3 =	sld [smem:$0x3FB1]  }
0x31: {  	[smem:$0x3FBA] =	sst s10  }
0x32: {  	s10 =	sld [smem:$0x3FB8];
	_ =	sdelay $0x3  }
0x33: {  	p0 =	seq.s32 s10, $0x1;
	s10 =	sld [smem:$0x3FBA];
	_ =	sdelay $0x3  }
0x34: {  	[smem:$0x3FBA] =	sst s10  }
0x35: {  	s10 =	sld [smem:$0x3FB9];
	_ =	sdelay $0x3  }
0x36: {  	p1 =	seq.s32 s10, $0x1;
	s10 =	sld [smem:$0x3FBA];
	_ =	sdelay $0x3  }
0x37: {  	[smem:$0x3FBA] =	sst s10  }
0x38: {  	s10 =	sld [smem:$0x3FBB]  }
0x39: {  	_ = 	snop;
	(pc) =	sbr.ind lr, $3  }
0x3a: {  	_ = 	snop  }
0x3b: {  	_ = 	snop  }
0x3c: {  	p2 =	seq.s32 s10, $0x1;
	s10 =	sld [smem:$0x3FBA]  }
0x3d: {  	_ =	shalt  }
0x3e: {  	_ =	shalt  }
0x3f: {  	_ =	shalt  }
0x40: {  	_ =	shalt  }
0x41: {  	_ =	shalt  }
0x42: {  	_ =	shalt  }
0x43: {  	_ =	shalt  }
0x44: {  	_ =	shalt  }
0x45: {  	_ =	shalt  }
0x46: {  	_ =	shalt  }
0x47: {  	_ =	shalt  }
0x48: {  	_ =	shalt  }
0x49: {  	_ =	shalt  }
0x4a: {  	_ =	shalt  }
0x4b: {  	_ =	shalt  }
0x4c: {  	_ =	shalt  }
0x4d: {  	_ =	shalt  }
0x4e: {  	_ =	shalt  }
0x4f: {  	_ =	shalt  }
0x50: {  	_ =	shalt  }
0x51: {  	_ =	shalt  }
0x52: {  	_ =	shalt  }
0x53: {  	_ =	shalt  }
0x54: {  	_ =	shalt  }
0x55: {  	_ =	shalt  }
0x56: {  	_ =	shalt  }
0x57: {  	_ =	shalt  }
0x58: {  	_ =	shalt  }
0x59: {  	_ =	shalt  }
0x5a: {  	_ =	shalt  }
0x5b: {  	_ =	shalt  }
0x5c: {  	_ =	shalt  }
0x5d: {  	_ =	shalt  }
0x5e: {  	_ =	shalt  }
0x5f: {  	_ =	shalt  }
0x60: {  	_ =	shalt  }
0x61: {  	_ =	shalt  }
0x62: {  	_ =	shalt  }
0x63: {  	_ =	shalt  }
0x64: {  	_ =	shalt  }
0x65: {  	_ =	shalt  }
0x66: {  	_ =	shalt  }
0x67: {  	_ =	shalt  }
0x68: {  	_ =	shalt  }
0x69: {  	_ =	shalt  }
0x6a: {  	_ =	shalt  }
0x6b: {  	_ =	shalt  }
0x6c: {  	_ =	shalt  }
0x6d: {  	_ =	shalt  }
0x6e: {  	_ =	shalt  }
0x6f: {  	_ =	shalt  }
0x70: {  	_ =	shalt  }
0x71: {  	_ =	shalt  }
0x72: {  	_ =	shalt  }
0x73: {  	_ =	shalt  }
0x74: {  	_ =	shalt  }
0x75: {  	_ =	shalt  }
0x76: {  	_ =	shalt  }
0x77: {  	_ =	shalt  }
0x78: {  	_ =	shalt  }
0x79: {  	_ =	shalt  }
0x7a: {  	_ =	shalt  }
0x7b: {  	_ =	shalt  }
0x7c: {  	_ =	shalt  }
0x7d: {  	_ =	shalt  }
0x7e: {  	_ =	shalt  }
0x7f: {  	_ =	shalt  }
0x80: {  	_ =	shalt  }
0x81: {  	_ =	shalt  }
0x82: {  	_ =	shalt  }
0x83: {  	_ =	shalt  }
0x84: {  	_ =	shalt  }
0x85: {  	_ =	shalt  }
0x86: {  	_ =	shalt  }
0x87: {  	_ =	shalt  }
.Lfunc_end0:
.L_simem_size_0:
called_computation.2_lowered:
.L_overlay_start_0:
0x88: {  	s2 =	sld [smem:$0x3FD9]  }
0x89: {  	s3 =	sld [smem:$0x3FFE];
	_ =	sdelay $0x1  }
0x8a: {  	s1 =	srdreg.scid  }
0x8b: {  	s0 =	sand.u32 $0x1, s1  }
0x8c: {  	s17 =	sshll.u32 s0, $0xA;
	s2 =	sadd.s32 s3, s2  }
0x8d: {  	s2 =	sadd.s32 s2, s17  }
0x8e: {  	[smem:$0x3FC6] =	sst s2  }
0x8f: {  	_ = 	snop  }
0x90: {  	s2 =	sld [smem:$0x3FD0];
	(tm) =	ssettm $0x1  }
0x91: {  	s18 =	sld [smem:$0x3FFB];
	_ =	sdelay $0x3  }
0x92: {  	_ =	strace s18  }
0x93: {  	s3 =	sld [smem:$0x3FFC];
	_ =	sdelay $0x3  }
0x94: {  	_ =	strace s3  }
0x95: {  	s3 =	sld [smem:$0x3FFD];
	_ =	sdelay $0x3  }
0x96: {  	_ =	strace s3  }
0x97: {  	_ =	strace $0x8FFFFFFF  }
0x98: {  	s19 =	sld [smem:$0x3FDB];
	_ =	sdelay $0x1  }
0x99: {  	s4 =	simm.s32 $_scs_section_size  }
0x9a: {  	s5 =	simm.s32 $_size__tile_overlayer_lowered;
	s6 =	simm.s32 $_tile_overlayer_lowered  }
0x9b: {  	s22 =	simm.s32 $0x1BFF;
	s21 =	sshll.u32 s6, $0x1;
	s3 =	sadd.s32 s4, s19  }
0x9c: {  	s7 =	simm.s32 $0x0;
	s20 =	sshll.u32 s5, $0x1;
	s5 =	sadd.s32 s21, s3  }
0x9d: {  	[timem:s7], [sflag:s22] =	dma.local [hbm:s5], s20  }
0x9e: {  	_ =	swait.ge [sflag:s22], s20  }
0x9f: {  	s4 =	ssub.s32 $0x0, s20;
	[sflag:s22] =	ssyncset.done $0x0  }
0xa0: {  	[sflag:s22] =	ssyncadd.s32 s4;
	_ =	sdelay $0x1  }
0xa1: {  	s23 =	simm.s32 $0x1B8B  }
0xa2: {  	_ =	swait.ge [sflag:s23], $0x1  }
0xa3: {  	[sflag:s23] =	ssyncset.done $0x0  }
0xa4: {  	s25 =	simm.s32 $0x1B8E;
	s24 =	sld [smem:$0x3FFE];
	[sflag:s23] =	ssyncadd.s32 $0xFFFFFFFF  }
0xa5: {  	s26 =	simm.s32 $execute0_lowered;
	[smem:$0x3FD2] =	sst s25  }
0xa6: {  	s5 =	sshll.u32 s26, $0x1;
	_ =	strace $0x80000049;
	[dreg:$0x1] =	wrdreg $0xFFFFFFFF  }
0xa7: {  	s28 =	simm.s32 $_size_execute0_lowered;
	s3 =	sadd.s32 s3, s5;
	[dreg:$0x0] =	wrdreg $0x0  }
0xa8: {  	s5 =	sshll.u32 s28, $0x1;
	[dreg:$0x2] =	wrdreg s3  }
0xa9: {  	[dreg:$0x3] =	wrdreg s5  }
0xaa: {  	[dreg:$0x4] =	wrdreg $0xC0  }
0xab: {  	_ =	task [dreg:s7], $0x5FFFF  }
0xac: {  	[dreg:$0x1] =	wrdreg $0xFFFFFFFF  }
0xad: {  	[dreg:$0x0] =	wrdreg $0x60  }
0xae: {  	[dreg:$0x2] =	wrdreg s2  }
0xaf: {  	[dreg:$0x3] =	wrdreg s24  }
0xb0: {  	[dreg:$0x4] =	wrdreg $0x9  }
0xb1: {  	_ =	task.clear_ibuf [dreg:s7], $0x5FFFF;
	_ =	strace $0x90000049  }
0xb2: {  	s29 =	simm.s32 $0x9;
	_ =	strace $0x8000004B  }
0xb3: {  	_ =	swait.ge [sflag:s29], $0x1  }
0xb4: {  	[sflag:s29] =	ssyncadd.s32 $0xFFFFFFFF  }
0xb5: {  	_ =	strace $0x9000004B  }
0xb6: {  	_ =	sfence  }
0xb7: {  	s30 =	sld [smem:$0x0];
	_ =	sdelay $0x2  }
0xb8: {  	s31 =	sshll.u32 s1, $0xD;
	s1 =	sshrl.u32 s1, $0x2  }
0xb9: {  	s3 =	sand.u32 $0x4000, s31;
	s1 =	sadd.s32 s1, s30  }
0xba: {  	s0 =	sor.u32 s3, s0;
	s1 =	sshll.u32 s1, $0x11  }
0xbb: {  	s0 =	sor.u32 s1, s0  }
0xbc: {  	s0 =	sadd.s32 $0x8F2B, s0  }
0xbd: {  	[sflag:s0] =	ssyncadd.remote.s32 $0x1  }
0xbe: {  	_ =	sfence.sel $0xFFFF  }
0xbf: {  	[dreg:$0x0] =	wrdreg $0xFFFFFFFF;
	(pc) =	sbr.abs _section_cstart, $3  }
0xc0: {  	[dreg:$0x1] =	wrdreg $0xFFFFFFFF  }
0xc1: {  	_ =	task.clear_ibuf [dreg:s7], $0x2FFFF;
	_ =	strace $0x9FFFFFFF  }
0xc2: {  	(tm) =	ssettm $0x7FFFFFFF  }
0xc3: {  	_ =	shalt  }
tec
execute0_lowered:
.L_overlay_start_1:
0x0: {  	(tag) =	ssettag $0x1  }
0x1: {  	s0 =	rddreg [dreg:$0x0]  }
0x2: {  	s1 =	rddreg [dreg:$0x1];
	s2 =	srdreg.scid  }
0x3: {  	s4 =	stileid.u32;
	s5 =	simm.s32 $0x0;
	s13 =	simm.s32 $0x80  }
0x4: {  	s14 =	simm.s32 $0x6400;
	s15 =	simm.s32 $0x7400;
	s17 =	simm.s32 $0x8400  }
0x5: {  	s19 =	simm.s32 $0x9400;
	s28 =	simm.s32 $0xD400;
	s30 =	simm.s32 $0xE400  }
0x6: {  	s16 =	simm.s32 $0x10400;
	s20 =	simm.s32 $0x11400;
	s29 =	simm.s32 $0x13400  }
0x7: {  	s31 =	simm.s32 $0x20;
	s18 =	simm.s32 $0x3;
	s2 =	sand.u32 $0x1, s2  }
0x8: {  	s3 =	sshll.u32 s4, $0x1;
	[smem:$0x7FF] =	sst s5;
	s7 =	smul.u32 $0x640000, s4  }
0x9: {  	s21 =	sor.u32 s2, s3;
	s22 =	ssub.s32 $0x2, s2;
	s2 =	smul.u32 $0x320000, s2  }
0xa: {  	s4 =	sadd.s32 $0xE00, s1;
	_ =	strace $0x8000004A;
	s6 =	smul.u32 $0x320000, s21  }
0xb: {  	s3 =	sadd.s32 $0xF43200, s1;
	s8 =	sshrl.u32 s22, $0x1;
	s5 =	smul.u32 $0xC80, s21  }
0xc: {  	s21 =	simm.s32 $0xA400;
	s1 =	ssub.s32 s22, s8;
	s2 =	sadd.s32 s2, s7  }
0xd: {  	s22 =	simm.s32 $0x15400;
	s7 =	simm.s32 $0x0;
	s0 =	sadd.s32 s0, s5  }
0xe: {  	s6 =	sshrl.u32 s6, $0x3;
	s1 =	smax.u32 s1, $0x1;
	[dreg:$0x4] =	wrdreg s0  }
0xf: {  	s24 =	sadd.s32 $0x60000, s2;
	s26 =	sadd.s32 $0x40000, s2;
	[dreg:$0x6] =	wrdreg s1  }
0x10: {  	s2 =	simm.s32 $0x2;
	s6 =	sadd.s32 s4, s6;
	[dreg:$0x8] =	wrdreg s26  }
0x11: {  	s0 =	sshrl.u32 s24, $0x3;
	s23 =	sadd.s32 $0x60000, s6;
	[dreg:$0x3] =	wrdreg s6  }
0x12: {  	s24 =	simm.s32 $0x12400;
	s25 =	sadd.s32 $0x4000, s6;
	[dreg:$0x5] =	wrdreg s23  }
0x13: {  	s1 =	simm.s32 $0x14400;
	s0 =	sadd.s32 s0, s4;
	[dreg:$0x7] =	wrdreg s25  }
0x14: {  	s26 =	simm.s32 $0x1;
	s6 =	simm.s32 $0x4;
	[dreg:$0x9] =	wrdreg s0  }
0x15: {  	s23 =	simm.s32 $0xB400;
	s25 =	simm.s32 $0xC400;
	s0 =	simm.s32 $0xF400  }
.LBB2_1:
0x16: {  	s5 =	simm.s32 $0x0;
	s8 =	rddreg [dreg:$0x4];
	s9 =	simm.s32 $0x5  }
0x17: {  	[tilespmem:s5], [sflag:$0x5] =	stream.linear.gather [hbm4b:s8+s5], $0x6400, $0x38;
	[tilespmem:$0x16400] =	vst v63  }
0x18: {  	_ =	swait.ge [sflag:s9], $0x6400  }
0x19: {  	[sflag:s9] =	ssyncset.done $0x0  }
0x1a: {  	[sflag:s9] =	ssyncadd.s32 $0xFFFF9C00  }
0x1b: {  	[tilespmem:s14], [sflag:$0x1] =	stream.indirect.gather [hbm4b:s3+s13], $0x20, s5, s13, $0xb8;
	[tilespmem:$0x16400] =	vst v63  }
0x1c: {  	_ = 	snop  }
0x1d: {  	[tilespmem:s15], [sflag:$0x1] =	stream.indirect.gather [hbm4b:s3+s13], $0x20, s13, s13, $0xb8;
	[tilespmem:$0x16400] =	vst v63  }
0x1e: {  	s10 =	simm.s32 $0x100  }
0x1f: {  	[tilespmem:s17], [sflag:$0x1] =	stream.indirect.gather [hbm4b:s3+s13], $0x20, s10, s13, $0xb8;
	[tilespmem:$0x16400] =	vst v63  }
0x20: {  	s11 =	simm.s32 $0x180  }
0x21: {  	[tilespmem:s19], [sflag:$0x1] =	stream.indirect.gather [hbm4b:s3+s13], $0x20, s11, s13, $0xb8;
	[tilespmem:$0x16400] =	vst v63  }
0x22: {  	s12 =	simm.s32 $0x200  }
0x23: {  	[tilespmem:s21], [sflag:$0x1] =	stream.indirect.gather [hbm4b:s3+s13], $0x20, s12, s13, $0xb8;
	[tilespmem:$0x16400] =	vst v63  }
0x24: {  	s8 =	simm.s32 $0x280  }
0x25: {  	[tilespmem:s23], [sflag:$0x1] =	stream.indirect.gather [hbm4b:s3+s13], $0x20, s8, s13, $0xb8;
	[tilespmem:$0x16400] =	vst v63  }
0x26: {  	s9 =	simm.s32 $0x300  }
0x27: {  	[tilespmem:s25], [sflag:$0x1] =	stream.indirect.gather [hbm4b:s3+s13], $0x20, s9, s13, $0xb8;
	[tilespmem:$0x16400] =	vst v63  }
0x28: {  	s10 =	simm.s32 $0x380  }
0x29: {  	[tilespmem:s28], [sflag:$0x1] =	stream.indirect.gather [hbm4b:s3+s13], $0x20, s10, s13, $0xb8;
	[tilespmem:$0x16400] =	vst v63  }
0x2a: {  	s11 =	simm.s32 $0x400  }
0x2b: {  	[tilespmem:s30], [sflag:$0x2] =	stream.indirect.gather [hbm4b:s3+s13], $0x20, s11, s13, $0xb8;
	[tilespmem:$0x16400] =	vst v63  }
0x2c: {  	s12 =	simm.s32 $0x480  }
0x2d: {  	[tilespmem:s0], [sflag:$0x2] =	stream.indirect.gather [hbm4b:s3+s13], $0x20, s12, s13, $0xb8;
	[tilespmem:$0x16400] =	vst v63  }
0x2e: {  	s8 =	simm.s32 $0x500  }
0x2f: {  	[tilespmem:s16], [sflag:$0x2] =	stream.indirect.gather [hbm4b:s3+s13], $0x20, s8, s13, $0xb8;
	[tilespmem:$0x16400] =	vst v63  }
0x30: {  	s9 =	simm.s32 $0x580  }
0x31: {  	[tilespmem:s20], [sflag:$0x2] =	stream.indirect.gather [hbm4b:s3+s13], $0x20, s9, s13, $0xb8;
	[tilespmem:$0x16400] =	vst v63  }
0x32: {  	s10 =	simm.s32 $0x600  }
0x33: {  	[tilespmem:s24], [sflag:$0x2] =	stream.indirect.gather [hbm4b:s3+s13], $0x20, s10, s13, $0xb8;
	[tilespmem:$0x16400] =	vst v63  }
0x34: {  	s11 =	simm.s32 $0x680  }
0x35: {  	[tilespmem:s29], [sflag:$0x2] =	stream.indirect.gather [hbm4b:s3+s13], $0x20, s11, s13, $0xb8;
	[tilespmem:$0x16400] =	vst v63  }
0x36: {  	s12 =	simm.s32 $0x700  }
0x37: {  	[tilespmem:s1], [sflag:$0x2] =	stream.indirect.gather [hbm4b:s3+s13], $0x20, s12, s13, $0xb8;
	[tilespmem:$0x16400] =	vst v63  }
0x38: {  	s8 =	simm.s32 $0x780  }
0x39: {  	[tilespmem:s22], [sflag:$0x2] =	stream.indirect.gather [hbm4b:s3+s13], $0x20, s8, s13, $0xb8;
	[tilespmem:$0x16400] =	vst v63  }
0x3a: {  	_ =	swait.ge [sflag:s26], $0x8000  }
0x3b: {  	[sflag:s26] =	ssyncset.done $0x0  }
0x3c: {  	s9 =	rddreg [dreg:$0x3];
	[sflag:s26] =	ssyncadd.s32 $0xFFFF8000  }
0x3d: {  	[hbm4b:s9+s31] =	stream.strided.scatter [tilespmem:s14], [sflag:$0x3], $0x8000, s13, s31, $0x38;
	[tilespmem:$0x16400] =	vst v63  }
0x3e: {  	_ =	swait.ge [sflag:s18], $0x8000  }
0x3f: {  	[sflag:s18] =	ssyncset.done $0x0  }
0x40: {  	s10 =	simm.s32 $0x800;
	[sflag:s18] =	ssyncadd.s32 $0xFFFF8000  }
0x41: {  	[tilespmem:s14], [sflag:$0x1] =	stream.indirect.gather [hbm4b:s3+s13], $0x20, s10, s13, $0xb8;
	[tilespmem:$0x16400] =	vst v63  }
0x42: {  	s11 =	simm.s32 $0x880  }
0x43: {  	[tilespmem:s15], [sflag:$0x1] =	stream.indirect.gather [hbm4b:s3+s13], $0x20, s11, s13, $0xb8;
	[tilespmem:$0x16400] =	vst v63  }
0x44: {  	s12 =	simm.s32 $0x900  }
0x45: {  	[tilespmem:s17], [sflag:$0x1] =	stream.indirect.gather [hbm4b:s3+s13], $0x20, s12, s13, $0xb8;
	[tilespmem:$0x16400] =	vst v63  }
0x46: {  	s8 =	simm.s32 $0x980  }
0x47: {  	[tilespmem:s19], [sflag:$0x1] =	stream.indirect.gather [hbm4b:s3+s13], $0x20, s8, s13, $0xb8;
	[tilespmem:$0x16400] =	vst v63  }
0x48: {  	s9 =	simm.s32 $0xA00  }
0x49: {  	[tilespmem:s21], [sflag:$0x1] =	stream.indirect.gather [hbm4b:s3+s13], $0x20, s9, s13, $0xb8;
	[tilespmem:$0x16400] =	vst v63  }
0x4a: {  	s10 =	simm.s32 $0xA80  }
0x4b: {  	[tilespmem:s23], [sflag:$0x1] =	stream.indirect.gather [hbm4b:s3+s13], $0x20, s10, s13, $0xb8;
	[tilespmem:$0x16400] =	vst v63  }
0x4c: {  	s11 =	simm.s32 $0xB00  }
0x4d: {  	[tilespmem:s25], [sflag:$0x1] =	stream.indirect.gather [hbm4b:s3+s13], $0x20, s11, s13, $0xb8;
	[tilespmem:$0x16400] =	vst v63  }
0x4e: {  	s12 =	simm.s32 $0xB80  }
0x4f: {  	[tilespmem:s28], [sflag:$0x1] =	stream.indirect.gather [hbm4b:s3+s13], $0x20, s12, s13, $0xb8;
	[tilespmem:$0x16400] =	vst v63  }
0x50: {  	_ =	swait.ge [sflag:s2], $0x8000  }
0x51: {  	[sflag:s2] =	ssyncset.done $0x0  }
0x52: {  	s8 =	rddreg [dreg:$0x7];
	[sflag:s2] =	ssyncadd.s32 $0xFFFF8000  }
0x53: {  	[hbm4b:s8+s31] =	stream.strided.scatter [tilespmem:s30], [sflag:$0x4], $0x8000, s13, s31, $0x38;
	[tilespmem:$0x16400] =	vst v63  }
0x54: {  	_ =	swait.ge [sflag:s6], $0x8000  }
0x55: {  	[sflag:s6] =	ssyncset.done $0x0  }
0x56: {  	s9 =	simm.s32 $0xC00;
	[sflag:s6] =	ssyncadd.s32 $0xFFFF8000  }
0x57: {  	[tilespmem:s30], [sflag:$0x2] =	stream.indirect.gather [hbm4b:s3+s13], $0x20, s9, s13, $0xb8;
	[tilespmem:$0x16400] =	vst v63  }
0x58: {  	s10 =	simm.s32 $0xC80  }
0x59: {  	[tilespmem:s0], [sflag:$0x2] =	stream.indirect.gather [hbm4b:s3+s13], $0x20, s10, s13, $0xb8;
	[tilespmem:$0x16400] =	vst v63  }
0x5a: {  	s11 =	simm.s32 $0xD00  }
0x5b: {  	[tilespmem:s16], [sflag:$0x2] =	stream.indirect.gather [hbm4b:s3+s13], $0x20, s11, s13, $0xb8;
	[tilespmem:$0x16400] =	vst v63  }
0x5c: {  	s12 =	simm.s32 $0xD80  }
0x5d: {  	[tilespmem:s20], [sflag:$0x2] =	stream.indirect.gather [hbm4b:s3+s13], $0x20, s12, s13, $0xb8;
	[tilespmem:$0x16400] =	vst v63  }
0x5e: {  	s8 =	simm.s32 $0xE00  }
0x5f: {  	[tilespmem:s24], [sflag:$0x2] =	stream.indirect.gather [hbm4b:s3+s13], $0x20, s8, s13, $0xb8;
	[tilespmem:$0x16400] =	vst v63  }
0x60: {  	s9 =	simm.s32 $0xE80  }
0x61: {  	[tilespmem:s29], [sflag:$0x2] =	stream.indirect.gather [hbm4b:s3+s13], $0x20, s9, s13, $0xb8;
	[tilespmem:$0x16400] =	vst v63  }
0x62: {  	s10 =	simm.s32 $0xF00  }
0x63: {  	[tilespmem:s1], [sflag:$0x2] =	stream.indirect.gather [hbm4b:s3+s13], $0x20, s10, s13, $0xb8;
	[tilespmem:$0x16400] =	vst v63  }
0x64: {  	s11 =	simm.s32 $0xF80  }
0x65: {  	[tilespmem:s22], [sflag:$0x2] =	stream.indirect.gather [hbm4b:s3+s13], $0x20, s11, s13, $0xb8;
	[tilespmem:$0x16400] =	vst v63  }
0x66: {  	_ =	swait.ge [sflag:s26], $0x8000  }
0x67: {  	s9 =	rddreg [dreg:$0x8]  }
0x68: {  	[sflag:s26] =	ssyncset.done $0x0;
	s12 =	sshrl.u32 s9, $0x3  }
0x69: {  	[sflag:s26] =	ssyncadd.s32 $0xFFFF8000;
	s5 =	sadd.s32 s4, s12  }
0x6a: {  	[hbm4b:s5+s31] =	stream.strided.scatter [tilespmem:s14], [sflag:$0x3], $0x8000, s13, s31, $0x38;
	[tilespmem:$0x16400] =	vst v63  }
0x6b: {  	_ =	swait.ge [sflag:s18], $0x8000  }
0x6c: {  	[sflag:s18] =	ssyncset.done $0x0  }
0x6d: {  	s8 =	simm.s32 $0x1000;
	[sflag:s18] =	ssyncadd.s32 $0xFFFF8000  }
0x6e: {  	[tilespmem:s14], [sflag:$0x1] =	stream.indirect.gather [hbm4b:s3+s13], $0x20, s8, s13, $0xb8;
	[tilespmem:$0x16400] =	vst v63  }
0x6f: {  	s10 =	simm.s32 $0x1080  }
0x70: {  	[tilespmem:s15], [sflag:$0x1] =	stream.indirect.gather [hbm4b:s3+s13], $0x20, s10, s13, $0xb8;
	[tilespmem:$0x16400] =	vst v63  }
0x71: {  	s11 =	simm.s32 $0x1100  }
0x72: {  	[tilespmem:s17], [sflag:$0x1] =	stream.indirect.gather [hbm4b:s3+s13], $0x20, s11, s13, $0xb8;
	[tilespmem:$0x16400] =	vst v63  }
0x73: {  	s12 =	simm.s32 $0x1180  }
0x74: {  	[tilespmem:s19], [sflag:$0x1] =	stream.indirect.gather [hbm4b:s3+s13], $0x20, s12, s13, $0xb8;
	[tilespmem:$0x16400] =	vst v63  }
0x75: {  	s8 =	simm.s32 $0x1200  }
0x76: {  	[tilespmem:s21], [sflag:$0x1] =	stream.indirect.gather [hbm4b:s3+s13], $0x20, s8, s13, $0xb8;
	[tilespmem:$0x16400] =	vst v63  }
0x77: {  	s10 =	simm.s32 $0x1280  }
0x78: {  	[tilespmem:s23], [sflag:$0x1] =	stream.indirect.gather [hbm4b:s3+s13], $0x20, s10, s13, $0xb8;
	[tilespmem:$0x16400] =	vst v63  }
0x79: {  	s11 =	simm.s32 $0x1300  }
0x7a: {  	[tilespmem:s25], [sflag:$0x1] =	stream.indirect.gather [hbm4b:s3+s13], $0x20, s11, s13, $0xb8;
	[tilespmem:$0x16400] =	vst v63  }
0x7b: {  	s12 =	simm.s32 $0x1380  }
0x7c: {  	[tilespmem:s28], [sflag:$0x1] =	stream.indirect.gather [hbm4b:s3+s13], $0x20, s12, s13, $0xb8;
	[tilespmem:$0x16400] =	vst v63  }
0x7d: {  	_ =	swait.ge [sflag:s2], $0x8000  }
0x7e: {  	s9 =	sadd.s32 $0x40000, s9;
	[sflag:s2] =	ssyncset.done $0x0;
	s11 =	rddreg [dreg:$0x9]  }
0x7f: {  	s8 =	simm.s32 $0x2000;
	[sflag:s2] =	ssyncadd.s32 $0xFFFF8000;
	s5 =	sadd.s32 $0x8000, s11  }
.LBB2_2:
0x80: {  	[hbm4b:s11+s31] =	stream.strided.scatter [tilespmem:s30], [sflag:$0x4], $0x8000, s13, s31, $0x38;
	[tilespmem:$0x16400] =	vst v63  }
0x81: {  	s10 =	smov.u32 s8;
	s11 =	smov.u32 s5  }
0x82: {  	p0 =	sne.s32 s8, $0x14000;
	s8 =	sadd.s32 $0x2000, s8;
	_ =	swait.ge [sflag:s6], $0x8000  }
0x83: {  	s10 =	sshra.s32 s10, $0x2;
	[sflag:s6] =	ssyncset.done $0x0  }
0x84: {  	s12 =	sadd.s32 $0xC00, s10;
	[sflag:s6] =	ssyncadd.s32 $0xFFFF8000  }
0x85: {  	[tilespmem:s30], [sflag:$0x2] =	stream.indirect.gather [hbm4b:s3+s13], $0x20, s12, s13, $0xb8;
	[tilespmem:$0x16400] =	vst v63  }
0x86: {  	s12 =	sadd.s32 $0xC80, s10  }
0x87: {  	[tilespmem:s0], [sflag:$0x2] =	stream.indirect.gather [hbm4b:s3+s13], $0x20, s12, s13, $0xb8;
	[tilespmem:$0x16400] =	vst v63  }
0x88: {  	s12 =	sadd.s32 $0xD00, s10  }
0x89: {  	[tilespmem:s16], [sflag:$0x2] =	stream.indirect.gather [hbm4b:s3+s13], $0x20, s12, s13, $0xb8;
	[tilespmem:$0x16400] =	vst v63  }
0x8a: {  	s12 =	sadd.s32 $0xD80, s10  }
0x8b: {  	[tilespmem:s20], [sflag:$0x2] =	stream.indirect.gather [hbm4b:s3+s13], $0x20, s12, s13, $0xb8;
	[tilespmem:$0x16400] =	vst v63  }
0x8c: {  	s12 =	sadd.s32 $0xE00, s10  }
0x8d: {  	[tilespmem:s24], [sflag:$0x2] =	stream.indirect.gather [hbm4b:s3+s13], $0x20, s12, s13, $0xb8;
	[tilespmem:$0x16400] =	vst v63  }
0x8e: {  	s12 =	sadd.s32 $0xE80, s10  }
0x8f: {  	[tilespmem:s29], [sflag:$0x2] =	stream.indirect.gather [hbm4b:s3+s13], $0x20, s12, s13, $0xb8;
	[tilespmem:$0x16400] =	vst v63  }
0x90: {  	s12 =	sadd.s32 $0xF00, s10  }
0x91: {  	[tilespmem:s1], [sflag:$0x2] =	stream.indirect.gather [hbm4b:s3+s13], $0x20, s12, s13, $0xb8;
	[tilespmem:$0x16400] =	vst v63  }
0x92: {  	s12 =	sadd.s32 $0xF80, s10  }
0x93: {  	[tilespmem:s22], [sflag:$0x2] =	stream.indirect.gather [hbm4b:s3+s13], $0x20, s12, s13, $0xb8;
	[tilespmem:$0x16400] =	vst v63  }
0x94: {  	_ =	swait.ge [sflag:s26], $0x8000  }
0x95: {  	s12 =	sshrl.u32 s9, $0x3;
	[sflag:s26] =	ssyncset.done $0x0  }
0x96: {  	s12 =	sadd.s32 s4, s12;
	[sflag:s26] =	ssyncadd.s32 $0xFFFF8000  }
0x97: {  	[hbm4b:s12+s31] =	stream.strided.scatter [tilespmem:s14], [sflag:$0x3], $0x8000, s13, s31, $0x38;
	[tilespmem:$0x16400] =	vst v63  }
0x98: {  	_ =	swait.ge [sflag:s18], $0x8000  }
0x99: {  	[sflag:s18] =	ssyncset.done $0x0  }
0x9a: {  	s12 =	sadd.s32 $0x1000, s10;
	[sflag:s18] =	ssyncadd.s32 $0xFFFF8000  }
0x9b: {  	[tilespmem:s14], [sflag:$0x1] =	stream.indirect.gather [hbm4b:s3+s13], $0x20, s12, s13, $0xb8;
	[tilespmem:$0x16400] =	vst v63  }
0x9c: {  	s12 =	sadd.s32 $0x1080, s10  }
0x9d: {  	[tilespmem:s15], [sflag:$0x1] =	stream.indirect.gather [hbm4b:s3+s13], $0x20, s12, s13, $0xb8;
	[tilespmem:$0x16400] =	vst v63  }
0x9e: {  	s12 =	sadd.s32 $0x1100, s10  }
0x9f: {  	[tilespmem:s17], [sflag:$0x1] =	stream.indirect.gather [hbm4b:s3+s13], $0x20, s12, s13, $0xb8;
	[tilespmem:$0x16400] =	vst v63  }
0xa0: {  	s12 =	sadd.s32 $0x1180, s10  }
0xa1: {  	[tilespmem:s19], [sflag:$0x1] =	stream.indirect.gather [hbm4b:s3+s13], $0x20, s12, s13, $0xb8;
	[tilespmem:$0x16400] =	vst v63  }
0xa2: {  	s12 =	sadd.s32 $0x1200, s10  }
0xa3: {  	[tilespmem:s21], [sflag:$0x1] =	stream.indirect.gather [hbm4b:s3+s13], $0x20, s12, s13, $0xb8;
	[tilespmem:$0x16400] =	vst v63  }
0xa4: {  	s12 =	sadd.s32 $0x1280, s10  }
0xa5: {  	[tilespmem:s23], [sflag:$0x1] =	stream.indirect.gather [hbm4b:s3+s13], $0x20, s12, s13, $0xb8;
	[tilespmem:$0x16400] =	vst v63  }
0xa6: {  	s12 =	sadd.s32 $0x1300, s10  }
0xa7: {  	[tilespmem:s25], [sflag:$0x1] =	stream.indirect.gather [hbm4b:s3+s13], $0x20, s12, s13, $0xb8;
	[tilespmem:$0x16400] =	vst v63  }
.Ltmp0:
0xa8: {  	s10 =	sadd.s32 $0x1380, s10;
	(pc) =	sbr.rel @p0 .LBB2_2-.Ltmp0, $4  }
0xa9: {  	[tilespmem:s28], [sflag:$0x1] =	stream.indirect.gather [hbm4b:s3+s13], $0x20, s10, s13, $0xb8;
	[tilespmem:$0x16400] =	vst v63  }
0xaa: {  	_ =	swait.ge [sflag:s2], $0x8000  }
0xab: {  	[sflag:s2] =	ssyncset.done $0x0  }
0xac: {  	s5 =	sadd.s32 $0x8000, s5;
	s9 =	sadd.s32 $0x40000, s9;
	[sflag:s2] =	ssyncadd.s32 $0xFFFF8000  }
0xad: {  	[hbm4b:s11+s31] =	stream.strided.scatter [tilespmem:s30], [sflag:$0x4], $0x8000, s13, s31, $0x38;
	[tilespmem:$0x16400] =	vst v63  }
0xae: {  	_ =	swait.ge [sflag:s26], $0x8000  }
0xaf: {  	[sflag:s26] =	ssyncset.done $0x0  }
0xb0: {  	s5 =	rddreg [dreg:$0x5];
	[sflag:s26] =	ssyncadd.s32 $0xFFFF8000  }
0xb1: {  	[hbm4b:s5+s31] =	stream.strided.scatter [tilespmem:s14], [sflag:$0x3], $0x8000, s13, s31, $0x38;
	[tilespmem:$0x16400] =	vst v63  }
0xb2: {  	_ =	swait.ge [sflag:s6], $0x8000  }
0xb3: {  	[sflag:s6] =	ssyncset.done $0x0  }
0xb4: {  	[sflag:s6] =	ssyncadd.s32 $0xFFFF8000  }
0xb5: {  	_ =	swait.ge [sflag:s18], $0x8000  }
0xb6: {  	s7 =	sadd.s32 $0x1, s7;
	s12 =	rddreg [dreg:$0x6]  }
0xb7: {  	p0 =	sne.s32 s7, s12  }
.Ltmp1:
0xb8: {  	_ = 	snop;
	(pc) =	sbr.rel @p0 .LBB2_1-.Ltmp1, $3  }
0xb9: {  	_ =	sdelay $0x1  }
0xba: {  	[sflag:s18] =	ssyncset.done $0x0  }
0xbb: {  	[sflag:s18] =	ssyncadd.s32 $0xFFFF8000  }
0xbc: {  	_ =	sfence.sel $0x180000  }
0xbd: {  	[bflag:$0x0] =	sbarrier.arrive $0xFFFF  }
0xbe: {  	_ =	strace $0x9000004A  }
0xbf: {  	s0 =	stileid.u32;
	[bflag:$0x2] =	sbarrier.arrive $0xFFFF  }
0xc0: {  	p0 =	sne.s32 s0, $0x0;
	s0 =	rddreg [dreg:$0x2]  }
0xc1: {  	s0 =	sadd.s32 @!p0 $0x100000, s0  }
0xc2: {  	[sflag:s0] =	ssyncadd.tile.s32 @!p0 $0x1;
	_ =	shalt  }
.Lfunc_end2:
_tile_overlayer_lowered:
.L_overlay_start_2:
0xc3: {  	(tag) =	ssettag $0x2  }
0xc4: {  	s0 =	rddreg [dreg:$0x0];
	s2 =	stileid.u32  }
0xc5: {  	s1 =	rddreg [dreg:$0x1];
	p0 =	sne.s32 s2, $0x0  }
0xc6: {  	s3 =	rddreg [dreg:$0x2];
	[bflag:$0x3] =	sbarrier.arrive $0xFFFF;
	s2 =	simm.s32 @!p0 $0x1C05  }
0xc7: {  	[timem:s3], [sflag:s2] =	dma.local @!p0 [hbm:s0], s1  }
0xc8: {  	s0 =	simm.s32 @!p0 $0x5  }
0xc9: {  	_ =	swait.ge @!p0 [sflag:s0], s1  }
0xca: {  	s1 =	ssub.s32 @!p0 $0x0, s1;
	[sflag:s0] =	ssyncset.done @!p0 $0x0  }
0xcb: {  	[sflag:s0] =	ssyncadd.s32 @!p0 s1  }
0xcc: {  	[bflag:$0x3] =	sbarrier.arrive $0xFFFF  }
0xcd: {  	_ =	shalt  }

// kernel: sparse-core-data-format-call.1.cloned.1.call-start
scs
called_computation.1_lowered:
.L_overlay_start_0:
0x0: {  	s2 =	sld [smem:$0x3FD9]  }
0x1: {  	s3 =	sld [smem:$0x3FFE];
	_ =	sdelay $0x1  }
0x2: {  	s1 =	srdreg.scid  }
0x3: {  	s0 =	sand.u32 $0x1, s1  }
0x4: {  	s18 =	sshll.u32 s0, $0xA;
	s2 =	sadd.s32 s3, s2  }
0x5: {  	s2 =	sadd.s32 s2, s18  }
0x6: {  	[smem:$0x3FC6] =	sst s2  }
0x7: {  	_ = 	snop  }
0x8: {  	s2 =	sld [smem:$0x3FC8];
	(tm) =	ssettm $0x1  }
0x9: {  	s19 =	sld [smem:$0x3FFB];
	_ =	sdelay $0x3  }
0xa: {  	_ =	strace s19  }
0xb: {  	s3 =	sld [smem:$0x3FFC];
	_ =	sdelay $0x3  }
0xc: {  	_ =	strace s3  }
0xd: {  	s3 =	sld [smem:$0x3FFD];
	_ =	sdelay $0x3  }
0xe: {  	_ =	strace s3  }
0xf: {  	_ =	strace $0x8FFFFFFF  }
0x10: {  	s20 =	sld [smem:$0x3FDB];
	_ =	sdelay $0x1  }
0x11: {  	s4 =	simm.s32 $_scs_section_size  }
0x12: {  	s5 =	simm.s32 $_size__tile_overlayer_lowered;
	s6 =	simm.s32 $_tile_overlayer_lowered  }
0x13: {  	s23 =	simm.s32 $0x1BFF;
	s22 =	sshll.u32 s6, $0x1;
	s3 =	sadd.s32 s4, s20  }
0x14: {  	s7 =	simm.s32 $0x0;
	s21 =	sshll.u32 s5, $0x1;
	s5 =	sadd.s32 s22, s3  }
0x15: {  	[timem:s7], [sflag:s23] =	dma.local [hbm:s5], s21  }
0x16: {  	_ =	swait.ge [sflag:s23], s21  }
0x17: {  	s4 =	ssub.s32 $0x0, s21;
	[sflag:s23] =	ssyncset.done $0x0  }
0x18: {  	[sflag:s23] =	ssyncadd.s32 s4;
	_ =	sdelay $0x1  }
0x19: {  	s24 =	simm.s32 $0x1B8B  }
0x1a: {  	_ =	swait.ge [sflag:s24], $0x1  }
0x1b: {  	[sflag:s24] =	ssyncset.done $0x0  }
0x1c: {  	s26 =	simm.s32 $0x1B8E;
	s25 =	sld [smem:$0x3FFE];
	[sflag:s24] =	ssyncadd.s32 $0xFFFFFFFF  }
0x1d: {  	s27 =	simm.s32 $execute0_lowered;
	[smem:$0x3FD2] =	sst s26  }
0x1e: {  	s5 =	sshll.u32 s27, $0x1;
	_ =	strace $0x80000046;
	[dreg:$0x1] =	wrdreg $0xFFFFFFFF  }
0x1f: {  	s28 =	simm.s32 $_size_execute0_lowered;
	s3 =	sadd.s32 s3, s5;
	[dreg:$0x0] =	wrdreg $0x0  }
0x20: {  	s5 =	sshll.u32 s28, $0x1;
	[dreg:$0x2] =	wrdreg s3  }
0x21: {  	[dreg:$0x3] =	wrdreg s5  }
0x22: {  	[dreg:$0x4] =	wrdreg $0xC0  }
0x23: {  	_ =	task [dreg:s7], $0x5FFFF  }
0x24: {  	[dreg:$0x1] =	wrdreg $0xFFFFFFFF  }
0x25: {  	[dreg:$0x0] =	wrdreg $0x60  }
0x26: {  	[dreg:$0x2] =	wrdreg s2  }
0x27: {  	[dreg:$0x3] =	wrdreg s25  }
0x28: {  	[dreg:$0x4] =	wrdreg $0x9  }
0x29: {  	_ =	task.clear_ibuf [dreg:s7], $0x5FFFF;
	_ =	strace $0x90000046  }
0x2a: {  	s29 =	simm.s32 $0x9;
	_ =	strace $0x80000048  }
0x2b: {  	_ =	swait.ge [sflag:s29], $0x1  }
0x2c: {  	[sflag:s29] =	ssyncadd.s32 $0xFFFFFFFF  }
0x2d: {  	_ =	strace $0x90000048  }
0x2e: {  	_ =	sfence  }
0x2f: {  	s30 =	sld [smem:$0x0];
	_ =	sdelay $0x2  }
0x30: {  	s31 =	sshll.u32 s1, $0xD;
	s1 =	sshrl.u32 s1, $0x2  }
0x31: {  	s3 =	sand.u32 $0x4000, s31;
	s1 =	sadd.s32 s1, s30  }
0x32: {  	s0 =	sor.u32 s3, s0;
	s1 =	sshll.u32 s1, $0x11  }
0x33: {  	s0 =	sor.u32 s1, s0  }
0x34: {  	s0 =	sadd.s32 $0x8F2B, s0  }
0x35: {  	[sflag:s0] =	ssyncadd.remote.s32 $0x1  }
0x36: {  	_ =	sfence.sel $0xFFFF  }
0x37: {  	[dreg:$0x0] =	wrdreg $0xFFFFFFFF;
	(pc) =	sbr.abs _section_cstart, $3  }
0x38: {  	[dreg:$0x1] =	wrdreg $0xFFFFFFFF  }
0x39: {  	_ =	task.clear_ibuf [dreg:s7], $0x2FFFF;
	_ =	strace $0x9FFFFFFF  }
0x3a: {  	(tm) =	ssettm $0x7FFFFFFF  }
0x3b: {  	_ =	shalt  }
tec
execute0_lowered:
.L_overlay_start_1:
0x0: {  	(tag) =	ssettag $0x1  }
0x1: {  	s0 =	srdreg.scid;
	s2 =	rddreg [dreg:$0x0]  }
0x2: {  	s5 =	rddreg [dreg:$0x1];
	s1 =	stileid.u32  }
0x3: {  	s4 =	simm.s32 $0x1;
	s6 =	simm.s32 $0x2;
	s15 =	simm.s32 $0x0  }
0x4: {  	p0 =	por $0x0, $0x0;
	s8 =	simm.s32 $0x80;
	s0 =	sshll.u32 s0, $0x4  }
0x5: {  	s14 =	simm.s32 $0x0;
	s9 =	simm.s32 $0x0;
	s3 =	sand.u32 $0x10, s0  }
.Ltmp0:
0x6: {  	s10 =	simm.s32 $0x0;
	s3 =	sor.u32 s1, s3;
	(pc) =	sbr.rel .LBB1_1-.Ltmp0, $4  }
0x7: {  	s0 =	rddreg [dreg:$0x2];
	_ =	strace $0x80000047;
	s3 =	sshll.u32 s3, $0x7  }
0x8: {  	s12 =	simm.s32 $0x0;
	[sflag:s4] =	ssyncpa.u1 $0x0;
	s7 =	ssub.s32 $0xF4200, s3  }
0x9: {  	s13 =	simm.s32 $0x0;
	[sflag:s6] =	ssyncpa.u1 $0x0;
	s6 =	sshrl.u32 s7, $0xC  }
0xa: {  	s5 =	sadd.s32 $0xE00, s5;
	s11 =	smov.u32 s3;
	s7 =	sadd.s32 $0x2, s6  }
.LBB1_5:
0xb: {  	p1 =	slt.u32 s13, $0x2  }
0xc: {  	s17 =	smov.u32 s15;
	p2 =	sgt.s32 @!p1 s15, $0xF41C0;
	s16 =	sshra.s32 @!p1 s15, $0x1F  }
0xd: {  	p3 =	sgt.s32 @!p1 s14, $0x60;
	s18 =	sshra.s32 @!p1 s14, $0x1F;
	p2 =	por !p2, p1  }
0xe: {  	s15 =	sand.u32 @!p1 s16, s15;
	p3 =	por !p3, p1;
	s16 =	smov.u32 s14  }
0xf: {  	s14 =	sand.u32 @!p1 s18, s14;
	s17 =	simm.s32 @p2 $0xF41C0;
	s16 =	simm.s32 @p3 $0x60  }
0x10: {  	s15 =	ssub.s32 @!p1 s17, s15;
	s14 =	ssub.s32 @!p1 s16, s14  }
0x11: {  	s18 =	smov.u32 s12;
	s16 =	sadd.s32 @!p1 $0xFFF0BE40, s15;
	s17 =	sadd.s32 @!p1 $0xFFFFFFA0, s14  }
0x12: {  	s15 =	ssub.s32 @!p1 $0xF4240, s15;
	p2 =	sgt.s32 @!p1 s16, $0x7F;
	p3 =	sgt.s32 @!p1 s17, $0x1F  }
0x13: {  	s14 =	ssub.s32 @!p1 $0x80, s14;
	p2 =	por !p2, p1;
	p3 =	por !p3, p1  }
0x14: {  	s16 =	sadd.s32 $0x1000, s11;
	s15 =	simm.s32 @!p2 $0x0;
	s14 =	simm.s32 @!p3 $0x0  }
0x15: {  	p2 =	sgt.s32 s16, $0xF423F;
	s14 =	smul.u32 @!p1 s14, s15;
	s15 =	sadd.s32 $0x20, s12  }
0x16: {  	s18 =	smov.u32 @p2 s15  }
0x17: {  	s16 =	smov.u32 @p2 s3;
	p2 =	sgt.s32 s18, $0x1F  }
0x18: {  	s18 =	simm.s32 @p2 $0x0;
	p2 =	sne.s32 s13, s7  }
.Ltmp1:
0x19: {  	p0 =	por !p0, !p0;
	s17 =	simm.s32 @!p1 $0x2;
	(pc) =	sbr.rel @!p2 .LBB1_6-.Ltmp1, $4  }
0x1a: {  	s15 =	smov.u32 s9;
	s9 =	smov.u32 s11;
	s14 =	sand.u32 @!p1 $0x3FFFFFFF, s14  }
0x1b: {  	s11 =	smov.u32 s16;
	_ =	swait.ge @!p1 [sflag:s17], s14;
	s19 =	ssub.s32 @!p1 $0x0, s14  }
0x1c: {  	s14 =	smov.u32 s10;
	s13 =	sadd.s32 $0x1, s13;
	[sflag:s17] =	ssyncset.done @!p1 $0x0  }
0x1d: {  	s10 =	smov.u32 s12;
	s12 =	smov.u32 s18;
	[sflag:s17] =	ssyncadd.s32 @!p1 s19  }
.LBB1_1:
0x1e: {  	p1 =	sgt.u32 s13, s6  }
0x1f: {  	s16 =	sshrl.u32 @!p1 s12, $0x3  }
0x20: {  	s17 =	sshll.u32 @!p1 s11, $0x3;
	s16 =	smul.u32 @!p1 $0x7A1400, s16  }
0x21: {  	s18 =	sshll.u32 @!p1 s12, $0x7;
	s17 =	sand.u32 @!p1 $0xFFFFFC00, s17  }
0x22: {  	s16 =	sadd.s32 @!p1 s16, s17;
	s17 =	sand.u32 @!p1 $0x380, s18  }
0x23: {  	s18 =	sand.u32 @!p1 $0x7F, s11;
	s16 =	sor.u32 @!p1 s17, s16  }
0x24: {  	s17 =	sor.u32 @!p1 s18, s16  }
0x25: {  	s18 =	smulhi.u32 @!p1 $0x218D6287, s17;
	_ =	sdelay $0x1  }
0x26: {  	s16 =	smulhi.u32 @!p1 $0x218D6287, s16;
	s18 =	sshrl.u32 @!p1 s18, $0x11  }
0x27: {  	s18 =	smul.u32 @!p1 $0xF4280, s18  }
0x28: {  	s19 =	sxor.u32 @!p1 $0xFFFFFFFF, s13;
	s16 =	sshrl.u32 @!p1 s16, $0x11  }
0x29: {  	s19 =	sshll.u32 @!p1 s19, $0xC;
	s16 =	sand.u32 @!p1 $0x1F, s16;
	s17 =	ssub.s32 @!p1 s17, s18  }
0x2a: {  	s16 =	smul.u32 @!p1 $0x1E850, s16;
	s18 =	sshrl.u32 @!p1 s17, $0x3;
	s17 =	sand.u32 @!p1 $0x7, s17  }
0x2b: {  	s19 =	sand.u32 @!p1 $0x1000, s19;
	s18 =	sadd.s32 @!p1 s2, s18;
	s17 =	sshll.u32 @!p1 s17, $0x12  }
0x2c: {  	s16 =	sadd.s32 @!p1 s16, s18;
	s17 =	sor.u32 @!p1 $0x400, s17;
	s18 =	simm.s32 @!p1 $0x7A1400  }
0x2d: {  	[tilespmem:s19], [sflag:$0x1] =	stream.strided.gather @!p1 [hbm4b:s16+s17], $0x1000, s18, s17, $0x38;
	[tilespmem:$0x4100] =	vst v63  }
0x2e: {  	p1 =	seq.s32 s13, $0x0  }
0x2f: {  	p2 =	sge.u32 @!p1 s13, s7  }
0x30: {  	p1 =	por p1, p2  }
.Ltmp2:
0x31: {  	_ = 	snop;
	(pc) =	sbr.rel @p1 .LBB1_5-.Ltmp2, $1  }
0x32: {  	_ =	sdelay $0x3  }
0x33: {  	s16 =	simm.s32 $0x1  }
0x34: {  	_ =	swait.ge [sflag:s4], $0x1000;
	s16 =	simm.s32 @!p0 $0x0  }
0x35: {  	[sflag:s4] =	ssyncset.done $0x0;
	s17 =	sshll.u32 s16, $0xC  }
0x36: {  	[sflag:s4] =	ssyncadd.s32 $0xFFFFF000;
	s17 =	sor.u32 $0x40, s17  }
0x37: {  	s16 =	smul.u32 $0x4200, s16;
	v0 =	vld [tilespmem:s17+$0x30]  }
0x38: {  	v1 =	vld [tilespmem:s17+$0xFFFFFFD0]  }
0x39: {  	s16 =	sshrl.u32 s16, $0x2;
	v5 =	vld [tilespmem:s17+$0xFFFFFFE0]  }
0x3a: {  	v6 =	vld [tilespmem:s17+$0xFFFFFFF0];
	s19 =	sor.u32 $0x2000, s16  }
0x3b: {  	s31 =	sand.u32 $0x1, s13;
	v4 =	vld [tilespmem:s17+$0x0];
	s18 =	sadd.s32 $0x0, s19  }
0x3c: {  	v3 =	vld [tilespmem:s17+$0x10];
	s16 =	smul.u32 $0x4200, s31;
	[tilespmem:s18+$0xE70 ss:$0x21] =	vst.msk $0xffff, v0  }
0x3d: {  	v2 =	vld [tilespmem:s17+$0x20];
	[tilespmem:s18+$0x210 ss:$0x21] =	vst.msk $0xffff, v1  }
0x3e: {  	s16 =	sshrl.u32 s16, $0x2;
	v1 =	vld [tilespmem:s17+$0xFFFFFFC0];
	[tilespmem:s18+$0x420 ss:$0x21] =	vst.msk $0xffff, v5;
	s17 =	sadd.s32 $0x80, s17  }
0x3f: {  	s20 =	simm.s32 $0x4;
	s21 =	simm.s32 $0x8;
	s16 =	sor.u32 $0x2000, s16;
	[tilespmem:s18+$0x630 ss:$0x21] =	vst.msk $0xffff, v6;
	v0 =	vld [tilespmem:s17+$0x30]  }
.LBB1_3:
0x40: {  	p1 =	sne.s32 s21, $0x7C;
	v5 =	vld [tilespmem:s17+$0xFFFFFFD0];
	[tilespmem:s18+$0x840 ss:$0x21] =	vst.msk $0xffff, v4  }
0x41: {  	v6 =	vld [tilespmem:s17+$0xFFFFFFE0];
	[tilespmem:s18+$0xA50 ss:$0x21] =	vst.msk $0xffff, v3  }
0x42: {  	s22 =	sshra.s32 s20, $0x2;
	s20 =	smov.u32 s21;
	v7 =	vld [tilespmem:s17+$0xFFFFFFF0];
	[tilespmem:s18+$0xC60 ss:$0x21] =	vst.msk $0xffff, v2  }
.Ltmp3:
0x43: {  	v4 =	vld [tilespmem:s17+$0x0];
	[tilespmem:s18+$0x0 ss:$0x21] =	vst.msk $0xffff, v1;
	s18 =	sadd.s32 s22, s19;
	(pc) =	sbr.rel @p1 .LBB1_3-.Ltmp3, $4  }
0x44: {  	v3 =	vld [tilespmem:s17+$0x10];
	[tilespmem:s18+$0xE70 ss:$0x21] =	vst.msk $0xffff, v0  }
0x45: {  	[tilespmem:s18+$0x210 ss:$0x21] =	vst.msk $0xffff, v5;
	v2 =	vld [tilespmem:s17+$0x20]  }
0x46: {  	v1 =	vld [tilespmem:s17+$0xFFFFFFC0];
	[tilespmem:s18+$0x420 ss:$0x21] =	vst.msk $0xffff, v6;
	s17 =	sadd.s32 $0x80, s17  }
0x47: {  	s21 =	sadd.s32 $0x4, s21;
	v0 =	vld [tilespmem:s17+$0x30];
	[tilespmem:s18+$0x630 ss:$0x21] =	vst.msk $0xffff, v7  }
0x48: {  	s21 =	sshll.u32 s9, $0x7;
	s22 =	sshll.u32 s10, $0x3;
	s20 =	sshra.s32 s20, $0x2  }
0x49: {  	p1 =	sgt.s32 s9, $0xF41C0;
	s30 =	sshra.s32 s9, $0x1F;
	s25 =	sshra.s32 s10, $0x1F  }
0x4a: {  	v5 =	vld [tilespmem:s17+$0xFFFFFFD0];
	s28 =	sshrl.u32 s10, $0x3;
	s23 =	sand.u32 $0xFFFFFC00, s21;
	s22 =	sand.u32 $0xFFFFFC00, s22  }
0x4b: {  	[tilespmem:s18+$0x840 ss:$0x21] =	vst.msk $0xffff, v4;
	v58 =	vld [tilespmem:s17+$0xFFFFFFE0];
	s21 =	sand.u32 $0x380, s21;
	s19 =	sadd.s32 s20, s19;
	s22 =	sadd.s32 s22, s23  }
0x4c: {  	v59 =	vld [tilespmem:s17+$0xFFFFFFF0];
	[tilespmem:s18+$0xA50 ss:$0x21] =	vst.msk $0xffff, v3;
	s29 =	sor.u32 s21, s22;
	s21 =	smov.u32 s9;
	s22 =	sand.u32 s30, s9  }
0x4d: {  	v60 =	vld [tilespmem:s17+$0x0];
	[tilespmem:s18+$0xC60 ss:$0x21] =	vst.msk $0xffff, v2;
	s30 =	sand.u32 $0x7, s10;
	s20 =	sshrl.u32 s29, $0x7;
	s21 =	simm.s32 @!p1 $0xF41C0  }
0x4e: {  	v61 =	vld [tilespmem:s17+$0x10];
	[tilespmem:s18+$0x0 ss:$0x21] =	vst.msk $0xffff, v1;
	p1 =	sgt.s32 s10, $0x60;
	s24 =	ssub.s32 s21, s22;
	s21 =	smov.u32 s10  }
0x4f: {  	v62 =	vld [tilespmem:s17+$0x20];
	[tilespmem:s19+$0xE70 ss:$0x21] =	vst.msk $0xffff, v0;
	s31 =	smulhi.u32 $0x218DEF5, s20;
	s22 =	sand.u32 s25, s10;
	s21 =	simm.s32 @!p1 $0x60  }
0x50: {  	v63 =	vld [tilespmem:s17+$0xFFFFFFC0];
	[tilespmem:s19+$0x210 ss:$0x21] =	vst.msk $0xffff, v5;
	s26 =	sadd.s32 $0xFFF0BE40, s24;
	s17 =	ssub.s32 $0xF4240, s24;
	s21 =	ssub.s32 s21, s22  }
0x51: {  	[tilespmem:s19+$0x420 ss:$0x21] =	vst.msk $0xffff, v58;
	s23 =	sshrl.u32 s31, $0xD;
	p1 =	sgt.s32 s26, $0x7F;
	s27 =	sadd.s32 $0xFFFFFFA0, s21  }
0x52: {  	[tilespmem:s19+$0x630 ss:$0x21] =	vst.msk $0xffff, v59;
	s23 =	smul.u32 $0xF4240, s23;
	s18 =	ssub.s32 $0x80, s21;
	p2 =	sgt.s32 s27, $0x1F  }
.Ltmp4:
0x53: {  	[tilespmem:s19+$0x840 ss:$0x21] =	vst.msk $0xffff, v60;
	s17 =	simm.s32 @p1 $0x0;
	s18 =	simm.s32 @p2 $0x0;
	(pc) =	sbr.rel .LBB1_5-.Ltmp4, $4  }
0x54: {  	s29 =	sand.u32 $0xF, s28;
	[tilespmem:s19+$0xA50 ss:$0x21] =	vst.msk $0xffff, v61;
	s20 =	ssub.s32 s20, s23;
	s17 =	smul.u32 s18, s17  }
0x55: {  	[tilespmem:s19+$0xC60 ss:$0x21] =	vst.msk $0xffff, v62;
	s21 =	sshll.u32 s30, $0x12;
	s20 =	sshll.u32 s20, $0x4;
	s18 =	sadd.s32 s5, s29  }
0x56: {  	[tilespmem:s19+$0x0 ss:$0x21] =	vst.msk $0xffff, v63;
	s31 =	sor.u32 $0x20, s21;
	s18 =	sadd.s32 s20, s18;
	s17 =	sand.u32 $0x3FFFFFFF, s17  }
0x57: {  	[hbm4b:s18+s31] =	stream.strided.scatter [tilespmem:s16], [sflag:$0x2], s17, s8, s31, $0x10;
	[tilespmem:$0x4100] =	vst v63  }
.LBB1_6:
0x58: {  	_ =	sfence.sel $0x180000  }
0x59: {  	s2 =	simm.s32 $0x1;
	[bflag:$0x0] =	sbarrier.arrive $0xFFFF  }
0x5a: {  	s31 =	simm.s32 $0x2;
	[sflag:s2] =	ssyncpa.u1 $0x1  }
0x5b: {  	[sflag:s31] =	ssyncpa.u1 $0x1  }
0x5c: {  	p0 =	sne.s32 s1, $0x0;
	_ =	strace $0x90000047  }
0x5d: {  	s0 =	sadd.s32 @!p0 $0x100000, s0;
	[bflag:$0x2] =	sbarrier.arrive $0xFFFF  }
0x5e: {  	[sflag:s0] =	ssyncadd.tile.s32 @!p0 $0x1;
	_ =	shalt  }
.Lfunc_end1:
_tile_overlayer_lowered:
.L_overlay_start_2:
0x5f: {  	(tag) =	ssettag $0x2  }
0x60: {  	s0 =	rddreg [dreg:$0x0];
	s2 =	stileid.u32  }
0x61: {  	s1 =	rddreg [dreg:$0x1];
	p0 =	sne.s32 s2, $0x0  }
0x62: {  	s3 =	rddreg [dreg:$0x2];
	[bflag:$0x3] =	sbarrier.arrive $0xFFFF;
	s2 =	simm.s32 @!p0 $0x1C01  }
0x63: {  	[timem:s3], [sflag:s2] =	dma.local @!p0 [hbm:s0], s1  }
0x64: {  	s0 =	simm.s32 @!p0 $0x1  }
0x65: {  	_ =	swait.ge @!p0 [sflag:s0], s1  }
0x66: {  	s1 =	ssub.s32 @!p0 $0x0, s1;
	[sflag:s0] =	ssyncset.done @!p0 $0x0  }
0x67: {  	[sflag:s0] =	ssyncadd.s32 @!p0 s1  }
0x68: {  	[bflag:$0x3] =	sbarrier.arrive $0xFFFF  }
0x69: {  	_ =	shalt  }

// kernel: sparse-core-data-format-call.cloned.1.call-start
scs
called_computation_lowered:
.L_overlay_start_0:
0x0: {  	s2 =	sld [smem:$0x3FD9]  }
0x1: {  	s3 =	sld [smem:$0x3FFE];
	_ =	sdelay $0x1  }
0x2: {  	s1 =	srdreg.scid  }
0x3: {  	s0 =	sand.u32 $0x1, s1  }
0x4: {  	s18 =	sshll.u32 s0, $0xA;
	s2 =	sadd.s32 s3, s2  }
0x5: {  	s2 =	sadd.s32 s2, s18  }
0x6: {  	[smem:$0x3FC6] =	sst s2  }
0x7: {  	_ = 	snop  }
0x8: {  	s2 =	sld [smem:$0x3FD0];
	(tm) =	ssettm $0x1  }
0x9: {  	s19 =	sld [smem:$0x3FFB];
	_ =	sdelay $0x3  }
0xa: {  	_ =	strace s19  }
0xb: {  	s3 =	sld [smem:$0x3FFC];
	_ =	sdelay $0x3  }
0xc: {  	_ =	strace s3  }
0xd: {  	s3 =	sld [smem:$0x3FFD];
	_ =	sdelay $0x3  }
0xe: {  	_ =	strace s3  }
0xf: {  	_ =	strace $0x8FFFFFFF  }
0x10: {  	s20 =	sld [smem:$0x3FDB];
	_ =	sdelay $0x1  }
0x11: {  	s4 =	simm.s32 $_scs_section_size  }
0x12: {  	s5 =	simm.s32 $_size__tile_overlayer_lowered;
	s6 =	simm.s32 $_tile_overlayer_lowered  }
0x13: {  	s23 =	simm.s32 $0x1BFF;
	s22 =	sshll.u32 s6, $0x1;
	s3 =	sadd.s32 s4, s20  }
0x14: {  	s7 =	simm.s32 $0x0;
	s21 =	sshll.u32 s5, $0x1;
	s5 =	sadd.s32 s22, s3  }
0x15: {  	[timem:s7], [sflag:s23] =	dma.local [hbm:s5], s21  }
0x16: {  	_ =	swait.ge [sflag:s23], s21  }
0x17: {  	s4 =	ssub.s32 $0x0, s21;
	[sflag:s23] =	ssyncset.done $0x0  }
0x18: {  	[sflag:s23] =	ssyncadd.s32 s4;
	_ =	sdelay $0x1  }
0x19: {  	s24 =	simm.s32 $0x1B8B  }
0x1a: {  	_ =	swait.ge [sflag:s24], $0x1  }
0x1b: {  	[sflag:s24] =	ssyncset.done $0x0  }
0x1c: {  	s26 =	simm.s32 $0x1B8E;
	s25 =	sld [smem:$0x3FFE];
	[sflag:s24] =	ssyncadd.s32 $0xFFFFFFFF  }
0x1d: {  	s27 =	simm.s32 $execute0_lowered;
	[smem:$0x3FD2] =	sst s26  }
0x1e: {  	s5 =	sshll.u32 s27, $0x1;
	_ =	strace $0x8000004C;
	[dreg:$0x1] =	wrdreg $0xFFFFFFFF  }
0x1f: {  	s28 =	simm.s32 $_size_execute0_lowered;
	s3 =	sadd.s32 s3, s5;
	[dreg:$0x0] =	wrdreg $0x0  }
0x20: {  	s5 =	sshll.u32 s28, $0x1;
	[dreg:$0x2] =	wrdreg s3  }
0x21: {  	[dreg:$0x3] =	wrdreg s5  }
0x22: {  	[dreg:$0x4] =	wrdreg $0xC0  }
0x23: {  	_ =	task [dreg:s7], $0x5FFFF  }
0x24: {  	[dreg:$0x1] =	wrdreg $0xFFFFFFFF  }
0x25: {  	[dreg:$0x0] =	wrdreg $0x60  }
0x26: {  	[dreg:$0x2] =	wrdreg s25  }
0x27: {  	[dreg:$0x3] =	wrdreg s2  }
0x28: {  	[dreg:$0x4] =	wrdreg $0x9  }
0x29: {  	_ =	task.clear_ibuf [dreg:s7], $0x5FFFF;
	_ =	strace $0x9000004C  }
0x2a: {  	s29 =	simm.s32 $0x9;
	_ =	strace $0x8000004E  }
0x2b: {  	_ =	swait.ge [sflag:s29], $0x1  }
0x2c: {  	[sflag:s29] =	ssyncadd.s32 $0xFFFFFFFF  }
0x2d: {  	_ =	strace $0x9000004E  }
0x2e: {  	_ =	sfence  }
0x2f: {  	s30 =	sld [smem:$0x0];
	_ =	sdelay $0x2  }
0x30: {  	s31 =	sshll.u32 s1, $0xD;
	s1 =	sshrl.u32 s1, $0x2  }
0x31: {  	s3 =	sand.u32 $0x4000, s31;
	s1 =	sadd.s32 s1, s30  }
0x32: {  	s0 =	sor.u32 s3, s0;
	s1 =	sshll.u32 s1, $0x11  }
0x33: {  	s0 =	sor.u32 s1, s0  }
0x34: {  	s0 =	sadd.s32 $0x8F2B, s0  }
0x35: {  	[sflag:s0] =	ssyncadd.remote.s32 $0x1  }
0x36: {  	_ =	sfence.sel $0xFFFF  }
0x37: {  	[dreg:$0x0] =	wrdreg $0xFFFFFFFF;
	(pc) =	sbr.abs _section_cstart, $3  }
0x38: {  	[dreg:$0x1] =	wrdreg $0xFFFFFFFF  }
0x39: {  	_ =	task.clear_ibuf [dreg:s7], $0x2FFFF;
	_ =	strace $0x9FFFFFFF  }
0x3a: {  	(tm) =	ssettm $0x7FFFFFFF  }
0x3b: {  	_ =	shalt  }
tec
execute0_lowered:
.L_overlay_start_1:
0x0: {  	(tag) =	ssettag $0x1  }
0x1: {  	s0 =	srdreg.scid  }
0x2: {  	s1 =	sshll.u32 s0, $0x4  }
0x3: {  	s0 =	stileid.u32;
	s1 =	sand.u32 $0x10, s1  }
0x4: {  	s1 =	sor.u32 s0, s1  }
0x5: {  	s6 =	rddreg [dreg:$0x0];
	s4 =	simm.s32 $0x1;
	s2 =	sshll.u32 s1, $0x7  }
0x6: {  	s7 =	simm.s32 $0x2;
	s12 =	simm.s32 $0x0;
	s1 =	ssub.s32 $0x1000, s2  }
0x7: {  	s8 =	simm.s32 $0x8000;
	s13 =	simm.s32 $0x0;
	s3 =	sand.u32 $0xF80, s1  }
0x8: {  	s9 =	simm.s32 $0x0;
	s5 =	sshrl.u32 s1, $0xC;
	p0 =	sne.s32 s3, $0x0  }
.Ltmp0:
0x9: {  	s1 =	rddreg [dreg:$0x2];
	s4 =	simm.s32 @!p0 $0x0;
	(pc) =	sbr.rel .LBB1_1-.Ltmp0, $4  }
0xa: {  	s11 =	simm.s32 $0x0;
	s3 =	rddreg [dreg:$0x1];
	s5 =	sadd.s32 s4, s5  }
0xb: {  	_ =	strace $0x8000004D;
	s4 =	simm.s32 $0x1;
	s5 =	smul.u32 $0xC8, s5  }
0xc: {  	s6 =	sadd.s32 $0xE00, s6;
	s10 =	smov.u32 s2;
	[sflag:s4] =	ssyncpa.u1 $0x0  }
0xd: {  	p0 =	por $0x0, $0x0;
	[sflag:s7] =	ssyncpa.u1 $0x0;
	s7 =	sor.u32 $0x1, s5  }
.LBB1_4:
0xe: {  	s16 =	sshll.u32 s13, $0x3;
	s17 =	sand.u32 $0x78, s13  }
0xf: {  	s30 =	sand.u32 $0x3E00, s13;
	s12 =	sshll.u32 s12, $0xE;
	s16 =	sand.u32 $0xC00, s16  }
0x10: {  	s31 =	sand.u32 $0x7, s13;
	s16 =	sor.u32 s17, s16;
	s17 =	sadd.s32 s3, s30  }
0x11: {  	s13 =	sshll.u32 s31, $0x12;
	s16 =	sshrl.u32 s16, $0x3;
	s12 =	sadd.s32 s12, s17  }
0x12: {  	[tilespmem:s15+$0x0 ss:$0x81] =	vst.msk $0xffff, v0;
	s13 =	sor.u32 $0x400, s13;
	s12 =	sadd.s32 s16, s12  }
0x13: {  	[hbm4b:s12+s13] =	stream.strided.scatter [tilespmem:s14], [sflag:$0x2], $0x1000, s8, s13, $0x20;
	[tilespmem:$0x4040] =	vst v63  }
.LBB1_5:
0x14: {  	s14 =	sadd.s32 $0x1, s9  }
0x15: {  	s12 =	sadd.s32 $0x1000, s10;
	s16 =	smov.u32 s10;
	p2 =	sgt.s32 s14, $0xC7  }
0x16: {  	s16 =	smov.u32 @p2 s12  }
0x17: {  	s14 =	simm.s32 @p2 $0x0;
	p2 =	sgt.s32 s16, $0xFFF  }
0x18: {  	s16 =	smov.u32 @p2 s2;
	p2 =	sne.s32 s11, s7  }
.Ltmp1:
0x19: {  	p1 =	slt.u32 s11, $0x2;
	(pc) =	sbr.rel @!p2 .LBB1_6-.Ltmp1, $4  }
0x1a: {  	s15 =	simm.s32 @!p1 $0x2  }
0x1b: {  	s13 =	smov.u32 s10;
	p0 =	por !p0, !p0;
	_ =	swait.ge @!p1 [sflag:s15], $0x1000  }
0x1c: {  	s12 =	smov.u32 s9;
	[sflag:s15] =	ssyncset.done @!p1 $0x0;
	s9 =	smov.u32 s14  }
0x1d: {  	s11 =	sadd.s32 $0x1, s11;
	[sflag:s15] =	ssyncadd.s32 @!p1 $0xFFFFF000;
	s10 =	smov.u32 s16  }
.LBB1_1:
0x1e: {  	p1 =	sge.u32 s11, s5  }
0x1f: {  	s14 =	sand.u32 @!p1 $0x1FFFFFF, s9  }
0x20: {  	s15 =	smulhi.u32 @!p1 $0x147AE15, s14;
	_ =	sdelay $0x1  }
0x21: {  	s15 =	smul.u32 @!p1 $0xC8, s15  }
0x22: {  	s16 =	sxor.u32 @!p1 $0xFFFFFFFF, s11;
	s17 =	smul.u32 @!p1 $0xC80, s10  }
0x23: {  	s31 =	sadd.s32 $0xFFFFFFFF, s11;
	s16 =	sshll.u32 @!p1 s16, $0xC;
	s14 =	ssub.s32 @!p1 s14, s15  }
0x24: {  	s15 =	sand.u32 @!p1 $0x1000, s16;
	s16 =	sadd.s32 @!p1 s6, s17;
	s14 =	sshll.u32 @!p1 s14, $0x4  }
0x25: {  	s17 =	simm.s32 @!p1 $0x6400;
	s14 =	sadd.s32 @!p1 s14, s16;
	s16 =	simm.s32 @!p1 $0x20  }
0x26: {  	[tilespmem:s15], [sflag:$0x1] =	stream.strided.gather @!p1 [hbm4b:s14+s16], $0x1000, s17, s16, $0x38;
	[tilespmem:$0x4040] =	vst v63  }
0x27: {  	p1 =	sge.u32 s31, s5  }
.Ltmp2:
0x28: {  	_ = 	snop;
	(pc) =	sbr.rel @p1 .LBB1_5-.Ltmp2, $1  }
0x29: {  	_ =	sdelay $0x3  }
0x2a: {  	s14 =	simm.s32 $0x1  }
0x2b: {  	_ =	swait.ge [sflag:s4], $0x1000;
	s14 =	simm.s32 @!p0 $0x0  }
0x2c: {  	[sflag:s4] =	ssyncset.done $0x0;
	s15 =	sshll.u32 s14, $0xC  }
0x2d: {  	[sflag:s4] =	ssyncadd.s32 $0xFFFFF000;
	s18 =	sor.u32 $0x10, s15  }
0x2e: {  	s14 =	smul.u32 $0x4080, s14;
	v1 =	vld [tilespmem:s18+$0x0]  }
0x2f: {  	s30 =	sand.u32 $0x1, s11;
	v0 =	vld [tilespmem:s18+$0xFFFFFFF0]  }
0x30: {  	s15 =	smul.u32 $0x4080, s30;
	s14 =	sshrl.u32 s14, $0x2  }
0x31: {  	s16 =	sor.u32 $0x2000, s14  }
0x32: {  	s31 =	sshrl.u32 s15, $0x2;
	s15 =	sadd.s32 $0x0, s16  }
0x33: {  	s17 =	simm.s32 $0x4;
	s18 =	sadd.s32 $0x20, s18;
	s14 =	sor.u32 $0x2000, s31;
	[tilespmem:s15+$0x810 ss:$0x81] =	vst.msk $0xffff, v1  }
.LBB1_3:
0x34: {  	v1 =	vld [tilespmem:s18+$0x0];
	p1 =	sne.s32 s17, $0x1FC;
	[tilespmem:s15+$0x0 ss:$0x81] =	vst.msk $0xffff, v0;
	s15 =	smov.u32 s17;
	s17 =	sadd.s32 $0x4, s17  }
.Ltmp3:
0x35: {  	v0 =	vld [tilespmem:s18+$0xFFFFFFF0];
	(pc) =	sbr.rel @p1 .LBB1_3-.Ltmp3, $4  }
0x36: {  	_ = 	snop  }
0x37: {  	s15 =	sshra.s32 s15, $0x2  }
0x38: {  	s15 =	sadd.s32 s15, s16  }
0x39: {  	s18 =	sadd.s32 $0x20, s18;
	[tilespmem:s15+$0x810 ss:$0x81] =	vst.msk $0xffff, v1  }
.Ltmp4:
0x3a: {  	_ = 	snop;
	(pc) =	sbr.rel .LBB1_4-.Ltmp4, $1  }
0x3b: {  	_ =	sdelay $0x3  }
.LBB1_6:
0x3c: {  	_ =	sfence.sel $0x180000  }
0x3d: {  	s2 =	simm.s32 $0x1;
	[bflag:$0x0] =	sbarrier.arrive $0xFFFF  }
0x3e: {  	s31 =	simm.s32 $0x2;
	[sflag:s2] =	ssyncpa.u1 $0x1  }
0x3f: {  	[sflag:s31] =	ssyncpa.u1 $0x1  }
0x40: {  	p0 =	sne.s32 s0, $0x0;
	_ =	strace $0x9000004D  }
0x41: {  	s0 =	sadd.s32 @!p0 $0x100000, s1;
	[bflag:$0x2] =	sbarrier.arrive $0xFFFF  }
0x42: {  	[sflag:s0] =	ssyncadd.tile.s32 @!p0 $0x1;
	_ =	shalt  }
.Lfunc_end1:
_tile_overlayer_lowered:
.L_overlay_start_2:
0x43: {  	(tag) =	ssettag $0x2  }
0x44: {  	s0 =	rddreg [dreg:$0x0];
	s2 =	stileid.u32  }
0x45: {  	s1 =	rddreg [dreg:$0x1];
	p0 =	sne.s32 s2, $0x0  }
0x46: {  	s3 =	rddreg [dreg:$0x2];
	[bflag:$0x3] =	sbarrier.arrive $0xFFFF;
	s2 =	simm.s32 @!p0 $0x1C01  }
0x47: {  	[timem:s3], [sflag:s2] =	dma.local @!p0 [hbm:s0], s1  }
0x48: {  	s0 =	simm.s32 @!p0 $0x1  }
0x49: {  	_ =	swait.ge @!p0 [sflag:s0], s1  }
0x4a: {  	s1 =	ssub.s32 @!p0 $0x0, s1;
	[sflag:s0] =	ssyncset.done @!p0 $0x0  }
0x4b: {  	[sflag:s0] =	ssyncadd.s32 @!p0 s1  }
0x4c: {  	[bflag:$0x3] =	sbarrier.arrive $0xFFFF  }
0x4d: {  	_ =	shalt  }

</sc_bundles>
